<compile_context>
chip_gen: v7x
topology: tpu7x:2x2x1
jax: 0.10.2.dev20260603
libtpu: 0.0.44.dev20260713+nightly
codegen_flags: <defaults>
</compile_context>

<pallas_src>
import functools

import jax
import jax.numpy as jnp
from jax import lax
from jax.experimental import pallas as pl
from jax.experimental.pallas import tpu as pltpu
from jax.experimental.pallas import tpu_sc as plsc

_N = 100000
_NPAD = 100352
_ROWS = _NPAD // 1024
_E = 6400000
_NW = 32
_EPW = _E // _NW
_CHUNK = 4000
_NCH = _EPW // _CHUNK
_GRP2 = _CHUNK // 32


def _act_body(v_ref, vh_ref, sl_ref, o_ref):
    o_ref[...] = jax.nn.sigmoid((v_ref[...] - vh_ref[...]) / sl_ref[...])


_sc_mesh = plsc.VectorSubcoreMesh(
    core_axis_name="c", subcore_axis_name="s", num_cores=2, num_subcores=16
)


@functools.partial(
    pl.kernel,
    out_type=(
        jax.ShapeDtypeStruct((_NW, _NPAD), jnp.float32),
        jax.ShapeDtypeStruct((_E // 2,), jnp.int32),
    ),
    mesh=_sc_mesh,
    scratch_types=[
        pltpu.VMEM((_NPAD,), jnp.float32),
        pltpu.VMEM((_CHUNK,), jnp.int32),
        pltpu.VMEM((_CHUNK,), jnp.int32),
        pltpu.VMEM((_CHUNK,), jnp.float32),
        pltpu.VMEM((_CHUNK,), jnp.float32),
        pltpu.VMEM((_CHUNK // 2,), jnp.int32),
        pltpu.VMEM((_CHUNK // 2,), jnp.int32),
        pltpu.SemaphoreType.DMA,
        pltpu.SemaphoreType.DMA,
        pltpu.SemaphoreType.DMA,
        pltpu.SemaphoreType.DMA,
    ],
    compiler_params=pltpu.CompilerParams(needs_layout_passes=False),
)
def _sc_edges(act_hbm, edge_hbm, w_hbm, part_hbm, msg_hbm,
              table, idxbuf0, idxbuf1, wbuf0, wbuf1, msgbuf0, msgbuf1,
              sem_in0, sem_in1, sem_out0, sem_out1):
    wid = lax.axis_index("c") * 16 + lax.axis_index("s")
    base = wid * _EPW
    base2 = wid * (_EPW // 2)
    idxbuf = (idxbuf0, idxbuf1)
    wbuf = (wbuf0, wbuf1)
    msgbuf = (msgbuf0, msgbuf1)
    sem_in = (sem_in0, sem_in1)
    sem_out = (sem_out0, sem_out1)

    def start_in1(ci, b):
        off = base + ci * _CHUNK
        pltpu.async_copy(edge_hbm.at[pl.ds(off, _CHUNK)], idxbuf[b], sem_in[b])
        pltpu.async_copy(w_hbm.at[pl.ds(off, _CHUNK)], wbuf[b], sem_in[b])

    def wait_in1(ci, b):
        off = base + ci * _CHUNK
        pltpu.make_async_copy(
            edge_hbm.at[pl.ds(off, _CHUNK)], idxbuf[b], sem_in[b]).wait()
        pltpu.make_async_copy(
            w_hbm.at[pl.ds(off, _CHUNK)], wbuf[b], sem_in[b]).wait()

    def wait_out1(ci, b):
        off = base2 + ci * (_CHUNK // 2)
        pltpu.make_async_copy(
            msgbuf[b], msg_hbm.at[pl.ds(off, _CHUNK // 2)], sem_out[b]).wait()

    start_in1(0, 0)
    start_in1(1, 1)
    pltpu.sync_copy(act_hbm, table)

    @pl.loop(0, _NCH // 2)
    def p1_pair(ci2):
        for b in range(2):
            ci = ci2 * 2 + b
            wait_in1(ci, b)

            @pl.when(ci2 > 0)
            def _():
                wait_out1(ci - 2, b)

            @plsc.parallel_loop(0, _GRP2, unroll=4)
            def grp(gi):
                s = gi * 32
                i0 = idxbuf[b][pl.ds(s, 16)]
                i1 = idxbuf[b][pl.ds(s + 16, 16)]
                a0 = plsc.load_gather(table, [i0])
                a1 = plsc.load_gather(table, [i1])
                m0 = wbuf[b][pl.ds(s, 16)] * a0
                m1 = wbuf[b][pl.ds(s + 16, 16)] * a1
                packed = plsc.pack(m0, m1, format=plsc.PackFormat.INTERLEAVED)
                msgbuf[b][pl.ds(gi * 16, 16)] = plsc.bitcast(packed, jnp.int32)

            off = base2 + ci * (_CHUNK // 2)
            pltpu.async_copy(msgbuf[b], msg_hbm.at[pl.ds(off, _CHUNK // 2)],
                             sem_out[b])

            @pl.when(ci + 2 < _NCH)
            def _():
                start_in1(ci + 2, b)

    for b in range(2):
        wait_out1(_NCH - 2 + b, b)

    def start_in2(ci, b):
        off = base + ci * _CHUNK
        pltpu.async_copy(edge_hbm.at[pl.ds(_E + off, _CHUNK)], idxbuf[b],
                         sem_in[b])
        pltpu.async_copy(msg_hbm.at[pl.ds(base2 + ci * (_CHUNK // 2),
                                          _CHUNK // 2)], msgbuf[b], sem_in[b])

    def wait_in2(ci, b):
        off = base + ci * _CHUNK
        pltpu.make_async_copy(
            edge_hbm.at[pl.ds(_E + off, _CHUNK)], idxbuf[b], sem_in[b]).wait()
        pltpu.make_async_copy(
            msg_hbm.at[pl.ds(base2 + ci * (_CHUNK // 2), _CHUNK // 2)],
            msgbuf[b], sem_in[b]).wait()

    start_in2(0, 0)
    start_in2(1, 1)

    zeros = jnp.zeros((16,), jnp.float32)

    @pl.loop(0, _NPAD // 16, unroll=8)
    def zero_grp(i):
        table[pl.ds(i * 16, 16)] = zeros

    @pl.loop(0, _NCH // 2)
    def p2_pair(ci2):
        for b in range(2):
            ci = ci2 * 2 + b
            wait_in2(ci, b)

            @plsc.parallel_loop(0, _GRP2, unroll=4)
            def grp(gi):
                s = gi * 32
                mm = plsc.bitcast(msgbuf[b][pl.ds(gi * 16, 16)], jnp.bfloat16)
                m0, m1 = plsc.unpack(mm, format=plsc.PackFormat.INTERLEAVED)
                d0 = idxbuf[b][pl.ds(s, 16)]
                d1 = idxbuf[b][pl.ds(s + 16, 16)]
                plsc.addupdate_scatter(table, [d0], m0)
                plsc.addupdate_scatter(table, [d1], m1)

            @pl.when(ci + 2 < _NCH)
            def _():
                start_in2(ci + 2, b)

    pltpu.sync_copy(table, part_hbm.at[wid])


def _post_body(p_ref, v_ref, st_ref, m_ref, h_ref, n_ref, gna_ref, gk_ref,
               gl_ref, ena_ref, ek_ref, el_ref, ib_ref, ss_ref, c_ref, o_ref):
    I_syn = jnp.sum(p_ref[...], axis=0)
    v = v_ref[...]
    I_Na = gna_ref[...] * m_ref[...] ** 3 * h_ref[...] * (v - ena_ref[...])
    I_K = gk_ref[...] * n_ref[...] ** 4 * (v - ek_ref[...])
    I_L = gl_ref[...] * (v - el_ref[...])
    I_ext = ib_ref[...] + ss_ref[...] * st_ref[...]
    o_ref[...] = (-I_Na - I_K - I_L + I_syn + I_ext) / c_ref[...]


def kernel(voltage, stimulus, hh_m, hh_h, hh_n, edge_index, W, syn_v_half,
           syn_slope, g_Na, g_K, g_L, E_Na, E_K, E_L, I_bias, stim_scale, C):
    f32 = jnp.float32
    edges = edge_index.astype(jnp.int32)
    pad = _NPAD - _N

    def pad2(x, val=0.0):
        return jnp.pad(x.astype(f32), (0, pad), constant_values=val).reshape(
            _ROWS, 1024)

    v2 = pad2(voltage)
    vh2 = pad2(syn_v_half)
    sl2 = pad2(syn_slope, 1.0)

    act = pl.pallas_call(
        _act_body,
        out_shape=jax.ShapeDtypeStruct((_ROWS, 1024), f32),
    )(v2, vh2, sl2)

    partials, _ = _sc_edges(act.reshape(_NPAD), edges.reshape(2 * _E), W)

    dv2 = pl.pallas_call(
        _post_body,
        out_shape=jax.ShapeDtypeStruct((_ROWS, 1024), f32),
    )(partials.reshape(_NW, _ROWS, 1024), v2, pad2(stimulus), pad2(hh_m),
      pad2(hh_h), pad2(hh_n), pad2(g_Na), pad2(g_K), pad2(g_L), pad2(E_Na),
      pad2(E_K), pad2(E_L), pad2(I_bias), pad2(stim_scale), pad2(C, 1.0))

    return dv2.reshape(_NPAD)[:_N, None]

# --- scband reference (transcript-rebuilt; emitter-appended) ---
"""Pipeline reference for scband-fly-vis-hodgkin-huxley-ode-34677565948816 (READ-ONLY COPY).

The authoritative reference and input builder live on the scoring server;
editing this copy changes nothing except your own understanding.
"""

import jax, jax.numpy as jnp
import numpy as np

N_NODES = 100000
N_EDGES = 6400000

def setup_inputs(seed: int = 0) -> dict:
    key = jax.random.key(seed)
    ks = jax.random.split(key, 8)
    voltage = -65.0 + 5.0 * jax.random.normal(ks[0], (N_NODES,), dtype=jnp.float32)
    stimulus = jax.random.normal(ks[1], (N_NODES,), dtype=jnp.float32)
    hh_m = jax.random.uniform(ks[2], (N_NODES,), dtype=jnp.float32)
    hh_h = jax.random.uniform(ks[3], (N_NODES,), dtype=jnp.float32)
    hh_n = jax.random.uniform(ks[4], (N_NODES,), dtype=jnp.float32)
    edge_index = jax.random.randint(ks[5], (2, N_EDGES), 0, N_NODES, dtype=jnp.int64 if jax.config.jax_enable_x64 else jnp.int32)
    W = 0.1 * jax.random.normal(ks[6], (N_EDGES,), dtype=jnp.float32)
    syn_v_half = -40.0 + 2.0 * jax.random.normal(ks[7], (N_NODES,), dtype=jnp.float32)
    syn_slope = 2.0 + 4.0 * jax.random.uniform(jax.random.fold_in(key, 99), (N_NODES,), dtype=jnp.float32)
    g_Na = 120.0 * jnp.ones((N_NODES,), dtype=jnp.float32)
    g_K = 36.0 * jnp.ones((N_NODES,), dtype=jnp.float32)
    g_L = 0.3 * jnp.ones((N_NODES,), dtype=jnp.float32)
    E_Na = 50.0 * jnp.ones((N_NODES,), dtype=jnp.float32)
    E_K = -77.0 * jnp.ones((N_NODES,), dtype=jnp.float32)
    E_L = -54.4 * jnp.ones((N_NODES,), dtype=jnp.float32)
    I_bias = jnp.zeros((N_NODES,), dtype=jnp.float32)
    stim_scale = jnp.ones((N_NODES,), dtype=jnp.float32)
    C = jnp.ones((N_NODES,), dtype=jnp.float32)
    return {"voltage": voltage, "stimulus": stimulus, "hh_m": hh_m, "hh_h": hh_h, "hh_n": hh_n, "edge_index": edge_index, "W": W, "syn_v_half": syn_v_half, "syn_slope": syn_slope, "g_Na": g_Na, "g_K": g_K, "g_L": g_L, "E_Na": E_Na, "E_K": E_K, "E_L": E_L, "I_bias": I_bias, "stim_scale": stim_scale, "C": C}

def reference(voltage, stimulus, hh_m, hh_h, hh_n, edge_index, W, syn_v_half, syn_slope, g_Na, g_K, g_L, E_Na, E_K, E_L, I_bias, stim_scale, C):
    src = edge_index[0]
    dst = edge_index[1]
    # synaptic current: sigmoid presynaptic activation, scatter-add to dst
    v_pre = jnp.take(voltage, src, axis=0)
    vh = jnp.take(syn_v_half, src, axis=0)
    sl = jnp.take(syn_slope, src, axis=0)
    activation = jax.nn.sigmoid((v_pre - vh) / sl)
    edge_msg = W * activation
    I_syn = jnp.zeros(voltage.shape[0], dtype=voltage.dtype).at[dst].add(edge_msg)
    # Hodgkin-Huxley membrane currents
    I_Na = g_Na * hh_m ** 3 * hh_h * (voltage - E_Na)
    I_K = g_K * hh_n ** 4 * (voltage - E_K)
    I_L = g_L * (voltage - E_L)
    I_ext = I_bias + stim_scale * stimulus
    dv = (-I_Na - I_K - I_L + I_syn + I_ext) / C
    return dv[:, None]

if __name__ == "__main__":
    import jax
    _d = setup_inputs()
    print(jax.jit(kernel)(*tuple(_d.values())))

</pallas_src>

<mosaic_0001>
#map = affine_map<(d0, d1) -> (0)>
#map1 = affine_map<(d0, d1) -> (0, 0)>
module attributes {stable_mosaic.version = 14 : i64} {
  func.func @_sc_edges(%arg0: i32, %arg1: i32, %arg2: memref<100352xf32, #tpu.memory_space<hbm>>, %arg3: memref<12800000xi32, #tpu.memory_space<hbm>>, %arg4: memref<6400000xf32, #tpu.memory_space<hbm>>, %arg5: memref<32x100352xf32, #tpu.memory_space<hbm>>, %arg6: memref<3200000xi32, #tpu.memory_space<hbm>>, %arg7: memref<100352xf32, #tpu.memory_space<vmem>>, %arg8: memref<4000xi32, #tpu.memory_space<vmem>>, %arg9: memref<4000xi32, #tpu.memory_space<vmem>>, %arg10: memref<4000xf32, #tpu.memory_space<vmem>>, %arg11: memref<4000xf32, #tpu.memory_space<vmem>>, %arg12: memref<2000xi32, #tpu.memory_space<vmem>>, %arg13: memref<2000xi32, #tpu.memory_space<vmem>>, %arg14: memref<!tpu.dma_semaphore, #tpu.memory_space<semaphore_mem>>, %arg15: memref<!tpu.dma_semaphore, #tpu.memory_space<semaphore_mem>>, %arg16: memref<!tpu.dma_semaphore, #tpu.memory_space<semaphore_mem>>, %arg17: memref<!tpu.dma_semaphore, #tpu.memory_space<semaphore_mem>>) attributes {dimension_semantics = [#tpu.dimension_semantics<core_parallel>, #tpu.dimension_semantics<subcore_parallel>], iteration_bounds = array<i64: 2, 16>, scalar_prefetch = 0 : i64, scratch_operands = 11 : i64, tpu.core_type = #tpu.core_type<sc_vector_subcore>, window_params = [{transform_indices = #map}, {transform_indices = #map}, {transform_indices = #map}, {transform_indices = #map1}, {transform_indices = #map}]} {
    %mul3A = arith.constant 16 : i32
    %mul3A_0 = arith.muli %arg0, %mul3A : i32
    %add3A = arith.addi %mul3A_0, %arg1 : i32
    %mul3A_1 = arith.constant 200000 : i32
    %mul3A_2 = arith.muli %add3A, %mul3A_1 : i32
    %mul3A_3 = arith.constant 100000 : i32
    %mul3A_4 = arith.muli %add3A, %mul3A_3 : i32
    %add3A_5 = arith.constant 0 : i32
    %add3A_6 = arith.addi %mul3A_2, %add3A_5 : i32
    %dma_start3A = tpu.memref_slice %arg3[%add3A_6] : memref<12800000xi32, #tpu.memory_space<hbm>> -> memref<4000xi32, #tpu.memory_space<hbm>>
    %dma_start3A_7 = tpu.memref_slice %arg3[%add3A_6] : memref<12800000xi32, #tpu.memory_space<hbm>> -> memref<4000xi32, #tpu.memory_space<hbm>>
    tpu.enqueue_dma source(%dma_start3A_7 : memref<4000xi32, #tpu.memory_space<hbm>>) target(%arg8 : memref<4000xi32, #tpu.memory_space<vmem>>) target_semaphore(%arg14 : memref<!tpu.dma_semaphore, #tpu.memory_space<semaphore_mem>>)
    %dma_start3A_8 = tpu.memref_slice %arg4[%add3A_6] : memref<6400000xf32, #tpu.memory_space<hbm>> -> memref<4000xf32, #tpu.memory_space<hbm>>
    %dma_start3A_9 = tpu.memref_slice %arg4[%add3A_6] : memref<6400000xf32, #tpu.memory_space<hbm>> -> memref<4000xf32, #tpu.memory_space<hbm>>
    tpu.enqueue_dma source(%dma_start3A_9 : memref<4000xf32, #tpu.memory_space<hbm>>) target(%arg10 : memref<4000xf32, #tpu.memory_space<vmem>>) target_semaphore(%arg14 : memref<!tpu.dma_semaphore, #tpu.memory_space<semaphore_mem>>)
    %add3A_10 = arith.constant 4000 : i32
    %add3A_11 = arith.addi %mul3A_2, %add3A_10 : i32
    %dma_start3A_12 = tpu.memref_slice %arg3[%add3A_11] : memref<12800000xi32, #tpu.memory_space<hbm>> -> memref<4000xi32, #tpu.memory_space<hbm>>
    %dma_start3A_13 = tpu.memref_slice %arg3[%add3A_11] : memref<12800000xi32, #tpu.memory_space<hbm>> -> memref<4000xi32, #tpu.memory_space<hbm>>
    tpu.enqueue_dma source(%dma_start3A_13 : memref<4000xi32, #tpu.memory_space<hbm>>) target(%arg9 : memref<4000xi32, #tpu.memory_space<vmem>>) target_semaphore(%arg15 : memref<!tpu.dma_semaphore, #tpu.memory_space<semaphore_mem>>)
    %dma_start3A_14 = tpu.memref_slice %arg4[%add3A_11] : memref<6400000xf32, #tpu.memory_space<hbm>> -> memref<4000xf32, #tpu.memory_space<hbm>>
    %dma_start3A_15 = tpu.memref_slice %arg4[%add3A_11] : memref<6400000xf32, #tpu.memory_space<hbm>> -> memref<4000xf32, #tpu.memory_space<hbm>>
    tpu.enqueue_dma source(%dma_start3A_15 : memref<4000xf32, #tpu.memory_space<hbm>>) target(%arg11 : memref<4000xf32, #tpu.memory_space<vmem>>) target_semaphore(%arg15 : memref<!tpu.dma_semaphore, #tpu.memory_space<semaphore_mem>>)
    "tpu.region"() ({
      %run_scoped3A = tpu.sem_alloc : memref<!tpu.dma_semaphore, #tpu.memory_space<semaphore_mem>>
      tpu.enqueue_dma source(%arg2 : memref<100352xf32, #tpu.memory_space<hbm>>) target(%arg7 : memref<100352xf32, #tpu.memory_space<vmem>>) target_semaphore(%run_scoped3A : memref<!tpu.dma_semaphore, #tpu.memory_space<semaphore_mem>>)
      tpu.wait_dma2 semaphore(%run_scoped3A : memref<!tpu.dma_semaphore, #tpu.memory_space<semaphore_mem>>) src(%arg2 : memref<100352xf32, #tpu.memory_space<hbm>>) dst(%arg7 : memref<100352xf32, #tpu.memory_space<vmem>>)
      tpu.yield
    }) : () -> ()
    %scan3A = arith.constant 0 : i32
    %scan3A_16 = arith.constant 25 : i32
    %scan3A_17 = arith.addi %scan3A, %scan3A_16 : i32
    %scan3A_18 = arith.constant 1 : i32
    scf.for %scan3A_58 = %scan3A to %scan3A_17 step %scan3A_18  : i32 {
      %mul3A_59 = arith.constant 1 : i32
      %mul3A_60 = arith.muli %scan3A_58, %mul3A_59 : i32
      %add3A_61 = arith.constant 0 : i32
      %add3A_62 = arith.addi %add3A_61, %mul3A_60 : i32
      %mul3A_63 = arith.constant 2 : i32
      %mul3A_64 = arith.muli %add3A_62, %mul3A_63 : i32
      %add3A_65 = arith.constant 0 : i32
      %add3A_66 = arith.addi %mul3A_64, %add3A_65 : i32
      %mul3A_67 = arith.constant 4000 : i32
      %mul3A_68 = arith.muli %add3A_66, %mul3A_67 : i32
      %add3A_69 = arith.addi %mul3A_2, %mul3A_68 : i32
      %dma_wait3A_70 = tpu.memref_slice %arg3[%add3A_69] : memref<12800000xi32, #tpu.memory_space<hbm>> -> memref<4000xi32, #tpu.memory_space<hbm>>
      %dma_wait3A_71 = tpu.memref_slice %arg3[%add3A_69] : memref<12800000xi32, #tpu.memory_space<hbm>> -> memref<4000xi32, #tpu.memory_space<hbm>>
      tpu.wait_dma2 semaphore(%arg14 : memref<!tpu.dma_semaphore, #tpu.memory_space<semaphore_mem>>) src(%dma_wait3A_71 : memref<4000xi32, #tpu.memory_space<hbm>>) dst(%arg8 : memref<4000xi32, #tpu.memory_space<vmem>>)
      %dma_wait3A_72 = tpu.memref_slice %arg4[%add3A_69] : memref<6400000xf32, #tpu.memory_space<hbm>> -> memref<4000xf32, #tpu.memory_space<hbm>>
      %dma_wait3A_73 = tpu.memref_slice %arg4[%add3A_69] : memref<6400000xf32, #tpu.memory_space<hbm>> -> memref<4000xf32, #tpu.memory_space<hbm>>
      tpu.wait_dma2 semaphore(%arg14 : memref<!tpu.dma_semaphore, #tpu.memory_space<semaphore_mem>>) src(%dma_wait3A_73 : memref<4000xf32, #tpu.memory_space<hbm>>) dst(%arg10 : memref<4000xf32, #tpu.memory_space<vmem>>)
      %gt3A = arith.constant 0 : i32
      %gt3A_74 = arith.cmpi sgt, %add3A_62, %gt3A : i32
      %convert_element_type3A = arith.extui %gt3A_74 : i1 to i32
      %cond3A = arith.constant 0 : i32
      %cond3A_75 = arith.cmpi ne, %convert_element_type3A, %cond3A : i32
      scf.if %cond3A_75 {
        %sub3A = arith.constant 2 : i32
        %sub3A_120 = arith.subi %add3A_66, %sub3A : i32
        %mul3A_121 = arith.constant 2000 : i32
        %mul3A_122 = arith.muli %sub3A_120, %mul3A_121 : i32
        %add3A_123 = arith.addi %mul3A_4, %mul3A_122 : i32
        %dma_wait3A_124 = tpu.memref_slice %arg6[%add3A_123] : memref<3200000xi32, #tpu.memory_space<hbm>> -> memref<2000xi32, #tpu.memory_space<hbm>>
        %dma_wait3A_125 = tpu.memref_slice %arg6[%add3A_123] : memref<3200000xi32, #tpu.memory_space<hbm>> -> memref<2000xi32, #tpu.memory_space<hbm>>
        tpu.wait_dma2 semaphore(%arg16 : memref<!tpu.dma_semaphore, #tpu.memory_space<semaphore_mem>>) src(%arg12 : memref<2000xi32, #tpu.memory_space<vmem>>) dst(%dma_wait3A_125 : memref<2000xi32, #tpu.memory_space<hbm>>)
      } else {
      }
      %parallel_loop3A = arith.constant 0 : i32
      %parallel_loop3A_76 = arith.constant 125 : i32
      %parallel_loop3A_77 = arith.constant 1 : i32
      scf.for %parallel_loop3A_120 = %parallel_loop3A to %parallel_loop3A_76 step %parallel_loop3A_77  : i32 {
        %parallel_loop3A_121 = arith.constant 32 : i32
        %parallel_loop3A_122 = arith.muli %parallel_loop3A_120, %parallel_loop3A_121 : i32
        %parallel_loop3A_123 = arith.index_cast %parallel_loop3A_122 : i32 to index
        %parallel_loop3A_124 = tpu.vector_load %arg8[%parallel_loop3A_123] {strides = array<i32>} : memref<4000xi32, #tpu.memory_space<vmem>>, vector<16xi32>,
        %parallel_loop3A_125 = arith.constant 16 : i32
        %parallel_loop3A_126 = arith.addi %parallel_loop3A_122, %parallel_loop3A_125 : i32
        %parallel_loop3A_127 = arith.index_cast %parallel_loop3A_126 : i32 to index
        %parallel_loop3A_128 = tpu.vector_load %arg8[%parallel_loop3A_127] {strides = array<i32>} : memref<4000xi32, #tpu.memory_space<vmem>>, vector<16xi32>,
        %parallel_loop3A_129 = tpu.vector_load_idx %arg7[%parallel_loop3A_124] : memref<100352xf32, #tpu.memory_space<vmem>>[vector<16xi32>], vector<16xf32>,
        %parallel_loop3A_130 = tpu.vector_load_idx %arg7[%parallel_loop3A_128] : memref<100352xf32, #tpu.memory_space<vmem>>[vector<16xi32>], vector<16xf32>,
        %parallel_loop3A_131 = arith.index_cast %parallel_loop3A_122 : i32 to index
        %parallel_loop3A_132 = tpu.vector_load %arg10[%parallel_loop3A_131] {strides = array<i32>} : memref<4000xf32, #tpu.memory_space<vmem>>, vector<16xf32>,
        %parallel_loop3A_133 = arith.mulf %parallel_loop3A_132, %parallel_loop3A_129 : vector<16xf32>
        %parallel_loop3A_134 = arith.constant 16 : i32
        %parallel_loop3A_135 = arith.addi %parallel_loop3A_122, %parallel_loop3A_134 : i32
        %parallel_loop3A_136 = arith.index_cast %parallel_loop3A_135 : i32 to index
        %parallel_loop3A_137 = tpu.vector_load %arg10[%parallel_loop3A_136] {strides = array<i32>} : memref<4000xf32, #tpu.memory_space<vmem>>, vector<16xf32>,
        %parallel_loop3A_138 = arith.mulf %parallel_loop3A_137, %parallel_loop3A_130 : vector<16xf32>
        %parallel_loop3A_139 = tpu.pack_subelements %parallel_loop3A_133, %parallel_loop3A_138 {pack_format = #tpu.pack_format<interleaved>, positions = array<i32: 0, 1>} : vector<16xf32>, vector<16xf32> -> vector<32xbf16>
        %parallel_loop3A_140 = vector.bitcast %parallel_loop3A_139 : vector<32xbf16> to vector<16xi32>
        %parallel_loop3A_141 = arith.constant 16 : i32
        %parallel_loop3A_142 = arith.muli %parallel_loop3A_120, %parallel_loop3A_141 : i32
        %parallel_loop3A_143 = arith.index_cast %parallel_loop3A_142 : i32 to index
        %parallel_loop3A_144 = tpu.vector_load %arg12[%parallel_loop3A_143] {strides = array<i32>} : memref<2000xi32, #tpu.memory_space<vmem>>, vector<16xi32>,
        tpu.vector_store %arg12[%parallel_loop3A_143], %parallel_loop3A_140 {strides = array<i32>} : memref<2000xi32, #tpu.memory_space<vmem>>, vector<16xi32>,
      } {sc.loop_unroll_factor = 4 : i64, sc.parallel_access}
      %mul3A_78 = arith.constant 2000 : i32
      %mul3A_79 = arith.muli %add3A_66, %mul3A_78 : i32
      %add3A_80 = arith.addi %mul3A_4, %mul3A_79 : i32
      %dma_start3A_81 = tpu.memref_slice %arg6[%add3A_80] : memref<3200000xi32, #tpu.memory_space<hbm>> -> memref<2000xi32, #tpu.memory_space<hbm>>
      %dma_start3A_82 = tpu.memref_slice %arg6[%add3A_80] : memref<3200000xi32, #tpu.memory_space<hbm>> -> memref<2000xi32, #tpu.memory_space<hbm>>
      tpu.enqueue_dma source(%arg12 : memref<2000xi32, #tpu.memory_space<vmem>>) target(%dma_start3A_82 : memref<2000xi32, #tpu.memory_space<hbm>>) target_semaphore(%arg16 : memref<!tpu.dma_semaphore, #tpu.memory_space<semaphore_mem>>)
      %add3A_83 = arith.constant 2 : i32
      %add3A_84 = arith.addi %add3A_66, %add3A_83 : i32
      %lt3A = arith.constant 50 : i32
      %lt3A_85 = arith.cmpi slt, %add3A_84, %lt3A : i32
      %convert_element_type3A_86 = arith.extui %lt3A_85 : i1 to i32
      %cond3A_87 = arith.constant 0 : i32
      %cond3A_88 = arith.cmpi ne, %convert_element_type3A_86, %cond3A_87 : i32
      scf.if %cond3A_88 {
        %add3A_120 = arith.constant 2 : i32
        %add3A_121 = arith.addi %add3A_66, %add3A_120 : i32
        %mul3A_122 = arith.constant 4000 : i32
        %mul3A_123 = arith.muli %add3A_121, %mul3A_122 : i32
        %add3A_124 = arith.addi %mul3A_2, %mul3A_123 : i32
        %dma_start3A_125 = tpu.memref_slice %arg3[%add3A_124] : memref<12800000xi32, #tpu.memory_space<hbm>> -> memref<4000xi32, #tpu.memory_space<hbm>>
        %dma_start3A_126 = tpu.memref_slice %arg3[%add3A_124] : memref<12800000xi32, #tpu.memory_space<hbm>> -> memref<4000xi32, #tpu.memory_space<hbm>>
        tpu.enqueue_dma source(%dma_start3A_126 : memref<4000xi32, #tpu.memory_space<hbm>>) target(%arg8 : memref<4000xi32, #tpu.memory_space<vmem>>) target_semaphore(%arg14 : memref<!tpu.dma_semaphore, #tpu.memory_space<semaphore_mem>>)
        %dma_start3A_127 = tpu.memref_slice %arg4[%add3A_124] : memref<6400000xf32, #tpu.memory_space<hbm>> -> memref<4000xf32, #tpu.memory_space<hbm>>
        %dma_start3A_128 = tpu.memref_slice %arg4[%add3A_124] : memref<6400000xf32, #tpu.memory_space<hbm>> -> memref<4000xf32, #tpu.memory_space<hbm>>
        tpu.enqueue_dma source(%dma_start3A_128 : memref<4000xf32, #tpu.memory_space<hbm>>) target(%arg10 : memref<4000xf32, #tpu.memory_space<vmem>>) target_semaphore(%arg14 : memref<!tpu.dma_semaphore, #tpu.memory_space<semaphore_mem>>)
      } else {
      }
      %mul3A_89 = arith.constant 2 : i32
      %mul3A_90 = arith.muli %add3A_62, %mul3A_89 : i32
      %add3A_91 = arith.constant 1 : i32
      %add3A_92 = arith.addi %mul3A_90, %add3A_91 : i32
      %mul3A_93 = arith.constant 4000 : i32
      %mul3A_94 = arith.muli %add3A_92, %mul3A_93 : i32
      %add3A_95 = arith.addi %mul3A_2, %mul3A_94 : i32
      %dma_wait3A_96 = tpu.memref_slice %arg3[%add3A_95] : memref<12800000xi32, #tpu.memory_space<hbm>> -> memref<4000xi32, #tpu.memory_space<hbm>>
      %dma_wait3A_97 = tpu.memref_slice %arg3[%add3A_95] : memref<12800000xi32, #tpu.memory_space<hbm>> -> memref<4000xi32, #tpu.memory_space<hbm>>
      tpu.wait_dma2 semaphore(%arg15 : memref<!tpu.dma_semaphore, #tpu.memory_space<semaphore_mem>>) src(%dma_wait3A_97 : memref<4000xi32, #tpu.memory_space<hbm>>) dst(%arg9 : memref<4000xi32, #tpu.memory_space<vmem>>)
      %dma_wait3A_98 = tpu.memref_slice %arg4[%add3A_95] : memref<6400000xf32, #tpu.memory_space<hbm>> -> memref<4000xf32, #tpu.memory_space<hbm>>
      %dma_wait3A_99 = tpu.memref_slice %arg4[%add3A_95] : memref<6400000xf32, #tpu.memory_space<hbm>> -> memref<4000xf32, #tpu.memory_space<hbm>>
      tpu.wait_dma2 semaphore(%arg15 : memref<!tpu.dma_semaphore, #tpu.memory_space<semaphore_mem>>) src(%dma_wait3A_99 : memref<4000xf32, #tpu.memory_space<hbm>>) dst(%arg11 : memref<4000xf32, #tpu.memory_space<vmem>>)
      %gt3A_100 = arith.constant 0 : i32
      %gt3A_101 = arith.cmpi sgt, %add3A_62, %gt3A_100 : i32
      %convert_element_type3A_102 = arith.extui %gt3A_101 : i1 to i32
      %cond3A_103 = arith.constant 0 : i32
      %cond3A_104 = arith.cmpi ne, %convert_element_type3A_102, %cond3A_103 : i32
      scf.if %cond3A_104 {
        %sub3A = arith.constant 2 : i32
        %sub3A_120 = arith.subi %add3A_92, %sub3A : i32
        %mul3A_121 = arith.constant 2000 : i32
        %mul3A_122 = arith.muli %sub3A_120, %mul3A_121 : i32
        %add3A_123 = arith.addi %mul3A_4, %mul3A_122 : i32
        %dma_wait3A_124 = tpu.memref_slice %arg6[%add3A_123] : memref<3200000xi32, #tpu.memory_space<hbm>> -> memref<2000xi32, #tpu.memory_space<hbm>>
        %dma_wait3A_125 = tpu.memref_slice %arg6[%add3A_123] : memref<3200000xi32, #tpu.memory_space<hbm>> -> memref<2000xi32, #tpu.memory_space<hbm>>
        tpu.wait_dma2 semaphore(%arg17 : memref<!tpu.dma_semaphore, #tpu.memory_space<semaphore_mem>>) src(%arg13 : memref<2000xi32, #tpu.memory_space<vmem>>) dst(%dma_wait3A_125 : memref<2000xi32, #tpu.memory_space<hbm>>)
      } else {
      }
      %parallel_loop3A_105 = arith.constant 0 : i32
      %parallel_loop3A_106 = arith.constant 125 : i32
      %parallel_loop3A_107 = arith.constant 1 : i32
      scf.for %parallel_loop3A_120 = %parallel_loop3A_105 to %parallel_loop3A_106 step %parallel_loop3A_107  : i32 {
        %parallel_loop3A_121 = arith.constant 32 : i32
        %parallel_loop3A_122 = arith.muli %parallel_loop3A_120, %parallel_loop3A_121 : i32
        %parallel_loop3A_123 = arith.index_cast %parallel_loop3A_122 : i32 to index
        %parallel_loop3A_124 = tpu.vector_load %arg9[%parallel_loop3A_123] {strides = array<i32>} : memref<4000xi32, #tpu.memory_space<vmem>>, vector<16xi32>,
        %parallel_loop3A_125 = arith.constant 16 : i32
        %parallel_loop3A_126 = arith.addi %parallel_loop3A_122, %parallel_loop3A_125 : i32
        %parallel_loop3A_127 = arith.index_cast %parallel_loop3A_126 : i32 to index
        %parallel_loop3A_128 = tpu.vector_load %arg9[%parallel_loop3A_127] {strides = array<i32>} : memref<4000xi32, #tpu.memory_space<vmem>>, vector<16xi32>,
        %parallel_loop3A_129 = tpu.vector_load_idx %arg7[%parallel_loop3A_124] : memref<100352xf32, #tpu.memory_space<vmem>>[vector<16xi32>], vector<16xf32>,
        %parallel_loop3A_130 = tpu.vector_load_idx %arg7[%parallel_loop3A_128] : memref<100352xf32, #tpu.memory_space<vmem>>[vector<16xi32>], vector<16xf32>,
        %parallel_loop3A_131 = arith.index_cast %parallel_loop3A_122 : i32 to index
        %parallel_loop3A_132 = tpu.vector_load %arg11[%parallel_loop3A_131] {strides = array<i32>} : memref<4000xf32, #tpu.memory_space<vmem>>, vector<16xf32>,
        %parallel_loop3A_133 = arith.mulf %parallel_loop3A_132, %parallel_loop3A_129 : vector<16xf32>
        %parallel_loop3A_134 = arith.constant 16 : i32
        %parallel_loop3A_135 = arith.addi %parallel_loop3A_122, %parallel_loop3A_134 : i32
        %parallel_loop3A_136 = arith.index_cast %parallel_loop3A_135 : i32 to index
        %parallel_loop3A_137 = tpu.vector_load %arg11[%parallel_loop3A_136] {strides = array<i32>} : memref<4000xf32, #tpu.memory_space<vmem>>, vector<16xf32>,
        %parallel_loop3A_138 = arith.mulf %parallel_loop3A_137, %parallel_loop3A_130 : vector<16xf32>
        %parallel_loop3A_139 = tpu.pack_subelements %parallel_loop3A_133, %parallel_loop3A_138 {pack_format = #tpu.pack_format<interleaved>, positions = array<i32: 0, 1>} : vector<16xf32>, vector<16xf32> -> vector<32xbf16>
        %parallel_loop3A_140 = vector.bitcast %parallel_loop3A_139 : vector<32xbf16> to vector<16xi32>
        %parallel_loop3A_141 = arith.constant 16 : i32
        %parallel_loop3A_142 = arith.muli %parallel_loop3A_120, %parallel_loop3A_141 : i32
        %parallel_loop3A_143 = arith.index_cast %parallel_loop3A_142 : i32 to index
        %parallel_loop3A_144 = tpu.vector_load %arg13[%parallel_loop3A_143] {strides = array<i32>} : memref<2000xi32, #tpu.memory_space<vmem>>, vector<16xi32>,
        tpu.vector_store %arg13[%parallel_loop3A_143], %parallel_loop3A_140 {strides = array<i32>} : memref<2000xi32, #tpu.memory_space<vmem>>, vector<16xi32>,
      } {sc.loop_unroll_factor = 4 : i64, sc.parallel_access}
      %mul3A_108 = arith.constant 2000 : i32
      %mul3A_109 = arith.muli %add3A_92, %mul3A_108 : i32
      %add3A_110 = arith.addi %mul3A_4, %mul3A_109 : i32
      %dma_start3A_111 = tpu.memref_slice %arg6[%add3A_110] : memref<3200000xi32, #tpu.memory_space<hbm>> -> memref<2000xi32, #tpu.memory_space<hbm>>
      %dma_start3A_112 = tpu.memref_slice %arg6[%add3A_110] : memref<3200000xi32, #tpu.memory_space<hbm>> -> memref<2000xi32, #tpu.memory_space<hbm>>
      tpu.enqueue_dma source(%arg13 : memref<2000xi32, #tpu.memory_space<vmem>>) target(%dma_start3A_112 : memref<2000xi32, #tpu.memory_space<hbm>>) target_semaphore(%arg17 : memref<!tpu.dma_semaphore, #tpu.memory_space<semaphore_mem>>)
      %add3A_113 = arith.constant 2 : i32
      %add3A_114 = arith.addi %add3A_92, %add3A_113 : i32
      %lt3A_115 = arith.constant 50 : i32
      %lt3A_116 = arith.cmpi slt, %add3A_114, %lt3A_115 : i32
      %convert_element_type3A_117 = arith.extui %lt3A_116 : i1 to i32
      %cond3A_118 = arith.constant 0 : i32
      %cond3A_119 = arith.cmpi ne, %convert_element_type3A_117, %cond3A_118 : i32
      scf.if %cond3A_119 {
        %add3A_120 = arith.constant 2 : i32
        %add3A_121 = arith.addi %add3A_92, %add3A_120 : i32
        %mul3A_122 = arith.constant 4000 : i32
        %mul3A_123 = arith.muli %add3A_121, %mul3A_122 : i32
        %add3A_124 = arith.addi %mul3A_2, %mul3A_123 : i32
        %dma_start3A_125 = tpu.memref_slice %arg3[%add3A_124] : memref<12800000xi32, #tpu.memory_space<hbm>> -> memref<4000xi32, #tpu.memory_space<hbm>>
        %dma_start3A_126 = tpu.memref_slice %arg3[%add3A_124] : memref<12800000xi32, #tpu.memory_space<hbm>> -> memref<4000xi32, #tpu.memory_space<hbm>>
        tpu.enqueue_dma source(%dma_start3A_126 : memref<4000xi32, #tpu.memory_space<hbm>>) target(%arg9 : memref<4000xi32, #tpu.memory_space<vmem>>) target_semaphore(%arg15 : memref<!tpu.dma_semaphore, #tpu.memory_space<semaphore_mem>>)
        %dma_start3A_127 = tpu.memref_slice %arg4[%add3A_124] : memref<6400000xf32, #tpu.memory_space<hbm>> -> memref<4000xf32, #tpu.memory_space<hbm>>
        %dma_start3A_128 = tpu.memref_slice %arg4[%add3A_124] : memref<6400000xf32, #tpu.memory_space<hbm>> -> memref<4000xf32, #tpu.memory_space<hbm>>
        tpu.enqueue_dma source(%dma_start3A_128 : memref<4000xf32, #tpu.memory_space<hbm>>) target(%arg11 : memref<4000xf32, #tpu.memory_space<vmem>>) target_semaphore(%arg15 : memref<!tpu.dma_semaphore, #tpu.memory_space<semaphore_mem>>)
      } else {
      }
    }
    %scan3A_19 = arith.constant 25 : i32
    %add3A_20 = arith.constant 96000 : i32
    %add3A_21 = arith.addi %mul3A_4, %add3A_20 : i32
    %dma_wait3A = tpu.memref_slice %arg6[%add3A_21] : memref<3200000xi32, #tpu.memory_space<hbm>> -> memref<2000xi32, #tpu.memory_space<hbm>>
    %dma_wait3A_22 = tpu.memref_slice %arg6[%add3A_21] : memref<3200000xi32, #tpu.memory_space<hbm>> -> memref<2000xi32, #tpu.memory_space<hbm>>
    tpu.wait_dma2 semaphore(%arg16 : memref<!tpu.dma_semaphore, #tpu.memory_space<semaphore_mem>>) src(%arg12 : memref<2000xi32, #tpu.memory_space<vmem>>) dst(%dma_wait3A_22 : memref<2000xi32, #tpu.memory_space<hbm>>)
    %add3A_23 = arith.constant 98000 : i32
    %add3A_24 = arith.addi %mul3A_4, %add3A_23 : i32
    %dma_wait3A_25 = tpu.memref_slice %arg6[%add3A_24] : memref<3200000xi32, #tpu.memory_space<hbm>> -> memref<2000xi32, #tpu.memory_space<hbm>>
    %dma_wait3A_26 = tpu.memref_slice %arg6[%add3A_24] : memref<3200000xi32, #tpu.memory_space<hbm>> -> memref<2000xi32, #tpu.memory_space<hbm>>
    tpu.wait_dma2 semaphore(%arg17 : memref<!tpu.dma_semaphore, #tpu.memory_space<semaphore_mem>>) src(%arg13 : memref<2000xi32, #tpu.memory_space<vmem>>) dst(%dma_wait3A_26 : memref<2000xi32, #tpu.memory_space<hbm>>)
    %add3A_27 = arith.constant 0 : i32
    %add3A_28 = arith.addi %mul3A_2, %add3A_27 : i32
    %add3A_29 = arith.constant 6400000 : i32
    %add3A_30 = arith.addi %add3A_29, %add3A_28 : i32
    %dma_start3A_31 = tpu.memref_slice %arg3[%add3A_30] : memref<12800000xi32, #tpu.memory_space<hbm>> -> memref<4000xi32, #tpu.memory_space<hbm>>
    %dma_start3A_32 = tpu.memref_slice %arg3[%add3A_30] : memref<12800000xi32, #tpu.memory_space<hbm>> -> memref<4000xi32, #tpu.memory_space<hbm>>
    tpu.enqueue_dma source(%dma_start3A_32 : memref<4000xi32, #tpu.memory_space<hbm>>) target(%arg8 : memref<4000xi32, #tpu.memory_space<vmem>>) target_semaphore(%arg14 : memref<!tpu.dma_semaphore, #tpu.memory_space<semaphore_mem>>)
    %add3A_33 = arith.constant 0 : i32
    %add3A_34 = arith.addi %mul3A_4, %add3A_33 : i32
    %dma_start3A_35 = tpu.memref_slice %arg6[%add3A_34] : memref<3200000xi32, #tpu.memory_space<hbm>> -> memref<2000xi32, #tpu.memory_space<hbm>>
    %dma_start3A_36 = tpu.memref_slice %arg6[%add3A_34] : memref<3200000xi32, #tpu.memory_space<hbm>> -> memref<2000xi32, #tpu.memory_space<hbm>>
    tpu.enqueue_dma source(%dma_start3A_36 : memref<2000xi32, #tpu.memory_space<hbm>>) target(%arg12 : memref<2000xi32, #tpu.memory_space<vmem>>) target_semaphore(%arg14 : memref<!tpu.dma_semaphore, #tpu.memory_space<semaphore_mem>>)
    %add3A_37 = arith.constant 4000 : i32
    %add3A_38 = arith.addi %mul3A_2, %add3A_37 : i32
    %add3A_39 = arith.constant 6400000 : i32
    %add3A_40 = arith.addi %add3A_39, %add3A_38 : i32
    %dma_start3A_41 = tpu.memref_slice %arg3[%add3A_40] : memref<12800000xi32, #tpu.memory_space<hbm>> -> memref<4000xi32, #tpu.memory_space<hbm>>
    %dma_start3A_42 = tpu.memref_slice %arg3[%add3A_40] : memref<12800000xi32, #tpu.memory_space<hbm>> -> memref<4000xi32, #tpu.memory_space<hbm>>
    tpu.enqueue_dma source(%dma_start3A_42 : memref<4000xi32, #tpu.memory_space<hbm>>) target(%arg9 : memref<4000xi32, #tpu.memory_space<vmem>>) target_semaphore(%arg15 : memref<!tpu.dma_semaphore, #tpu.memory_space<semaphore_mem>>)
    %add3A_43 = arith.constant 2000 : i32
    %add3A_44 = arith.addi %mul3A_4, %add3A_43 : i32
    %dma_start3A_45 = tpu.memref_slice %arg6[%add3A_44] : memref<3200000xi32, #tpu.memory_space<hbm>> -> memref<2000xi32, #tpu.memory_space<hbm>>
    %dma_start3A_46 = tpu.memref_slice %arg6[%add3A_44] : memref<3200000xi32, #tpu.memory_space<hbm>> -> memref<2000xi32, #tpu.memory_space<hbm>>
    tpu.enqueue_dma source(%dma_start3A_46 : memref<2000xi32, #tpu.memory_space<hbm>>) target(%arg13 : memref<2000xi32, #tpu.memory_space<vmem>>) target_semaphore(%arg15 : memref<!tpu.dma_semaphore, #tpu.memory_space<semaphore_mem>>)
    %broadcast_in_dim3A = arith.constant 0.000000e+00 : f32
    %broadcast_in_dim3A_47 = vector.broadcast %broadcast_in_dim3A : f32 to vector<16xf32>
    %scan3A_48 = arith.constant 0 : i32
    %scan3A_49 = arith.constant 6272 : i32
    %scan3A_50 = arith.addi %scan3A_48, %scan3A_49 : i32
    %scan3A_51 = arith.constant 8 : i32
    scf.for %scan3A_58 = %scan3A_48 to %scan3A_50 step %scan3A_51  : i32 {
      %mul3A_59 = arith.constant 1 : i32
      %mul3A_60 = arith.muli %scan3A_58, %mul3A_59 : i32
      %add3A_61 = arith.constant 0 : i32
      %add3A_62 = arith.addi %add3A_61, %mul3A_60 : i32
      %mul3A_63 = arith.constant 16 : i32
      %mul3A_64 = arith.muli %add3A_62, %mul3A_63 : i32
      %swap3A = arith.index_cast %mul3A_64 : i32 to index
      %swap3A_65 = tpu.vector_load %arg7[%swap3A] {strides = array<i32>} : memref<100352xf32, #tpu.memory_space<vmem>>, vector<16xf32>,
      tpu.vector_store %arg7[%swap3A], %broadcast_in_dim3A_47 {strides = array<i32>} : memref<100352xf32, #tpu.memory_space<vmem>>, vector<16xf32>,
      %scan3A_66 = arith.constant 1 : i32
      %scan3A_67 = arith.addi %scan3A_58, %scan3A_66 : i32
      %mul3A_68 = arith.constant 1 : i32
      %mul3A_69 = arith.muli %scan3A_67, %mul3A_68 : i32
      %add3A_70 = arith.constant 0 : i32
      %add3A_71 = arith.addi %add3A_70, %mul3A_69 : i32
      %mul3A_72 = arith.constant 16 : i32
      %mul3A_73 = arith.muli %add3A_71, %mul3A_72 : i32
      %swap3A_74 = arith.index_cast %mul3A_73 : i32 to index
      %swap3A_75 = tpu.vector_load %arg7[%swap3A_74] {strides = array<i32>} : memref<100352xf32, #tpu.memory_space<vmem>>, vector<16xf32>,
      tpu.vector_store %arg7[%swap3A_74], %broadcast_in_dim3A_47 {strides = array<i32>} : memref<100352xf32, #tpu.memory_space<vmem>>, vector<16xf32>,
      %scan3A_76 = arith.constant 2 : i32
      %scan3A_77 = arith.addi %scan3A_58, %scan3A_76 : i32
      %mul3A_78 = arith.constant 1 : i32
      %mul3A_79 = arith.muli %scan3A_77, %mul3A_78 : i32
      %add3A_80 = arith.constant 0 : i32
      %add3A_81 = arith.addi %add3A_80, %mul3A_79 : i32
      %mul3A_82 = arith.constant 16 : i32
      %mul3A_83 = arith.muli %add3A_81, %mul3A_82 : i32
      %swap3A_84 = arith.index_cast %mul3A_83 : i32 to index
      %swap3A_85 = tpu.vector_load %arg7[%swap3A_84] {strides = array<i32>} : memref<100352xf32, #tpu.memory_space<vmem>>, vector<16xf32>,
      tpu.vector_store %arg7[%swap3A_84], %broadcast_in_dim3A_47 {strides = array<i32>} : memref<100352xf32, #tpu.memory_space<vmem>>, vector<16xf32>,
      %scan3A_86 = arith.constant 3 : i32
      %scan3A_87 = arith.addi %scan3A_58, %scan3A_86 : i32
      %mul3A_88 = arith.constant 1 : i32
      %mul3A_89 = arith.muli %scan3A_87, %mul3A_88 : i32
      %add3A_90 = arith.constant 0 : i32
      %add3A_91 = arith.addi %add3A_90, %mul3A_89 : i32
      %mul3A_92 = arith.constant 16 : i32
      %mul3A_93 = arith.muli %add3A_91, %mul3A_92 : i32
      %swap3A_94 = arith.index_cast %mul3A_93 : i32 to index
      %swap3A_95 = tpu.vector_load %arg7[%swap3A_94] {strides = array<i32>} : memref<100352xf32, #tpu.memory_space<vmem>>, vector<16xf32>,
      tpu.vector_store %arg7[%swap3A_94], %broadcast_in_dim3A_47 {strides = array<i32>} : memref<100352xf32, #tpu.memory_space<vmem>>, vector<16xf32>,
      %scan3A_96 = arith.constant 4 : i32
      %scan3A_97 = arith.addi %scan3A_58, %scan3A_96 : i32
      %mul3A_98 = arith.constant 1 : i32
      %mul3A_99 = arith.muli %scan3A_97, %mul3A_98 : i32
      %add3A_100 = arith.constant 0 : i32
      %add3A_101 = arith.addi %add3A_100, %mul3A_99 : i32
      %mul3A_102 = arith.constant 16 : i32
      %mul3A_103 = arith.muli %add3A_101, %mul3A_102 : i32
      %swap3A_104 = arith.index_cast %mul3A_103 : i32 to index
      %swap3A_105 = tpu.vector_load %arg7[%swap3A_104] {strides = array<i32>} : memref<100352xf32, #tpu.memory_space<vmem>>, vector<16xf32>,
      tpu.vector_store %arg7[%swap3A_104], %broadcast_in_dim3A_47 {strides = array<i32>} : memref<100352xf32, #tpu.memory_space<vmem>>, vector<16xf32>,
      %scan3A_106 = arith.constant 5 : i32
      %scan3A_107 = arith.addi %scan3A_58, %scan3A_106 : i32
      %mul3A_108 = arith.constant 1 : i32
      %mul3A_109 = arith.muli %scan3A_107, %mul3A_108 : i32
      %add3A_110 = arith.constant 0 : i32
      %add3A_111 = arith.addi %add3A_110, %mul3A_109 : i32
      %mul3A_112 = arith.constant 16 : i32
      %mul3A_113 = arith.muli %add3A_111, %mul3A_112 : i32
      %swap3A_114 = arith.index_cast %mul3A_113 : i32 to index
      %swap3A_115 = tpu.vector_load %arg7[%swap3A_114] {strides = array<i32>} : memref<100352xf32, #tpu.memory_space<vmem>>, vector<16xf32>,
      tpu.vector_store %arg7[%swap3A_114], %broadcast_in_dim3A_47 {strides = array<i32>} : memref<100352xf32, #tpu.memory_space<vmem>>, vector<16xf32>,
      %scan3A_116 = arith.constant 6 : i32
      %scan3A_117 = arith.addi %scan3A_58, %scan3A_116 : i32
      %mul3A_118 = arith.constant 1 : i32
      %mul3A_119 = arith.muli %scan3A_117, %mul3A_118 : i32
      %add3A_120 = arith.constant 0 : i32
      %add3A_121 = arith.addi %add3A_120, %mul3A_119 : i32
      %mul3A_122 = arith.constant 16 : i32
      %mul3A_123 = arith.muli %add3A_121, %mul3A_122 : i32
      %swap3A_124 = arith.index_cast %mul3A_123 : i32 to index
      %swap3A_125 = tpu.vector_load %arg7[%swap3A_124] {strides = array<i32>} : memref<100352xf32, #tpu.memory_space<vmem>>, vector<16xf32>,
      tpu.vector_store %arg7[%swap3A_124], %broadcast_in_dim3A_47 {strides = array<i32>} : memref<100352xf32, #tpu.memory_space<vmem>>, vector<16xf32>,
      %scan3A_126 = arith.constant 7 : i32
      %scan3A_127 = arith.addi %scan3A_58, %scan3A_126 : i32
      %mul3A_128 = arith.constant 1 : i32
      %mul3A_129 = arith.muli %scan3A_127, %mul3A_128 : i32
      %add3A_130 = arith.constant 0 : i32
      %add3A_131 = arith.addi %add3A_130, %mul3A_129 : i32
      %mul3A_132 = arith.constant 16 : i32
      %mul3A_133 = arith.muli %add3A_131, %mul3A_132 : i32
      %swap3A_134 = arith.index_cast %mul3A_133 : i32 to index
      %swap3A_135 = tpu.vector_load %arg7[%swap3A_134] {strides = array<i32>} : memref<100352xf32, #tpu.memory_space<vmem>>, vector<16xf32>,
      tpu.vector_store %arg7[%swap3A_134], %broadcast_in_dim3A_47 {strides = array<i32>} : memref<100352xf32, #tpu.memory_space<vmem>>, vector<16xf32>,
    }
    %scan3A_52 = arith.constant 6272 : i32
    %scan3A_53 = arith.constant 0 : i32
    %scan3A_54 = arith.constant 25 : i32
    %scan3A_55 = arith.addi %scan3A_53, %scan3A_54 : i32
    %scan3A_56 = arith.constant 1 : i32
    scf.for %scan3A_58 = %scan3A_53 to %scan3A_55 step %scan3A_56  : i32 {
      %mul3A_59 = arith.constant 1 : i32
      %mul3A_60 = arith.muli %scan3A_58, %mul3A_59 : i32
      %add3A_61 = arith.constant 0 : i32
      %add3A_62 = arith.addi %add3A_61, %mul3A_60 : i32
      %mul3A_63 = arith.constant 2 : i32
      %mul3A_64 = arith.muli %add3A_62, %mul3A_63 : i32
      %add3A_65 = arith.constant 0 : i32
      %add3A_66 = arith.addi %mul3A_64, %add3A_65 : i32
      %mul3A_67 = arith.constant 4000 : i32
      %mul3A_68 = arith.muli %add3A_66, %mul3A_67 : i32
      %add3A_69 = arith.addi %mul3A_2, %mul3A_68 : i32
      %add3A_70 = arith.constant 6400000 : i32
      %add3A_71 = arith.addi %add3A_70, %add3A_69 : i32
      %dma_wait3A_72 = tpu.memref_slice %arg3[%add3A_71] : memref<12800000xi32, #tpu.memory_space<hbm>> -> memref<4000xi32, #tpu.memory_space<hbm>>
      %dma_wait3A_73 = tpu.memref_slice %arg3[%add3A_71] : memref<12800000xi32, #tpu.memory_space<hbm>> -> memref<4000xi32, #tpu.memory_space<hbm>>
      tpu.wait_dma2 semaphore(%arg14 : memref<!tpu.dma_semaphore, #tpu.memory_space<semaphore_mem>>) src(%dma_wait3A_73 : memref<4000xi32, #tpu.memory_space<hbm>>) dst(%arg8 : memref<4000xi32, #tpu.memory_space<vmem>>)
      %mul3A_74 = arith.constant 2000 : i32
      %mul3A_75 = arith.muli %add3A_66, %mul3A_74 : i32
      %add3A_76 = arith.addi %mul3A_4, %mul3A_75 : i32
      %dma_wait3A_77 = tpu.memref_slice %arg6[%add3A_76] : memref<3200000xi32, #tpu.memory_space<hbm>> -> memref<2000xi32, #tpu.memory_space<hbm>>
      %dma_wait3A_78 = tpu.memref_slice %arg6[%add3A_76] : memref<3200000xi32, #tpu.memory_space<hbm>> -> memref<2000xi32, #tpu.memory_space<hbm>>
      tpu.wait_dma2 semaphore(%arg14 : memref<!tpu.dma_semaphore, #tpu.memory_space<semaphore_mem>>) src(%dma_wait3A_78 : memref<2000xi32, #tpu.memory_space<hbm>>) dst(%arg12 : memref<2000xi32, #tpu.memory_space<vmem>>)
      %parallel_loop3A = arith.constant 0 : i32
      %parallel_loop3A_79 = arith.constant 125 : i32
      %parallel_loop3A_80 = arith.constant 1 : i32
      scf.for %parallel_loop3A_111 = %parallel_loop3A to %parallel_loop3A_79 step %parallel_loop3A_80  : i32 {
        %parallel_loop3A_112 = arith.constant 32 : i32
        %parallel_loop3A_113 = arith.muli %parallel_loop3A_111, %parallel_loop3A_112 : i32
        %parallel_loop3A_114 = arith.constant 16 : i32
        %parallel_loop3A_115 = arith.muli %parallel_loop3A_111, %parallel_loop3A_114 : i32
        %parallel_loop3A_116 = arith.index_cast %parallel_loop3A_115 : i32 to index
        %parallel_loop3A_117 = tpu.vector_load %arg12[%parallel_loop3A_116] {strides = array<i32>} : memref<2000xi32, #tpu.memory_space<vmem>>, vector<16xi32>,
        %parallel_loop3A_118 = vector.bitcast %parallel_loop3A_117 : vector<16xi32> to vector<32xbf16>
        %parallel_loop3A_119 = tpu.unpack_subelements %parallel_loop3A_118, 0 {pack_format = #tpu.pack_format<interleaved>} : vector<32xbf16> -> vector<16xf32>
        %parallel_loop3A_120 = tpu.unpack_subelements %parallel_loop3A_118, 1 {pack_format = #tpu.pack_format<interleaved>} : vector<32xbf16> -> vector<16xf32>
        %parallel_loop3A_121 = arith.index_cast %parallel_loop3A_113 : i32 to index
        %parallel_loop3A_122 = tpu.vector_load %arg8[%parallel_loop3A_121] {strides = array<i32>} : memref<4000xi32, #tpu.memory_space<vmem>>, vector<16xi32>,
        %parallel_loop3A_123 = arith.constant 16 : i32
        %parallel_loop3A_124 = arith.addi %parallel_loop3A_113, %parallel_loop3A_123 : i32
        %parallel_loop3A_125 = arith.index_cast %parallel_loop3A_124 : i32 to index
        %parallel_loop3A_126 = tpu.vector_load %arg8[%parallel_loop3A_125] {strides = array<i32>} : memref<4000xi32, #tpu.memory_space<vmem>>, vector<16xi32>,
        tpu.vector_store_idx %arg7[%parallel_loop3A_122], %parallel_loop3A_119 {add = true} : memref<100352xf32, #tpu.memory_space<vmem>>[vector<16xi32>], vector<16xf32>,
        tpu.vector_store_idx %arg7[%parallel_loop3A_126], %parallel_loop3A_120 {add = true} : memref<100352xf32, #tpu.memory_space<vmem>>[vector<16xi32>], vector<16xf32>,
      } {sc.loop_unroll_factor = 4 : i64, sc.parallel_access}
      %add3A_81 = arith.constant 2 : i32
      %add3A_82 = arith.addi %add3A_66, %add3A_81 : i32
      %lt3A = arith.constant 50 : i32
      %lt3A_83 = arith.cmpi slt, %add3A_82, %lt3A : i32
      %convert_element_type3A = arith.extui %lt3A_83 : i1 to i32
      %cond3A = arith.constant 0 : i32
      %cond3A_84 = arith.cmpi ne, %convert_element_type3A, %cond3A : i32
      scf.if %cond3A_84 {
        %add3A_111 = arith.constant 2 : i32
        %add3A_112 = arith.addi %add3A_66, %add3A_111 : i32
        %mul3A_113 = arith.constant 4000 : i32
        %mul3A_114 = arith.muli %add3A_112, %mul3A_113 : i32
        %add3A_115 = arith.addi %mul3A_2, %mul3A_114 : i32
        %add3A_116 = arith.constant 6400000 : i32
        %add3A_117 = arith.addi %add3A_116, %add3A_115 : i32
        %dma_start3A_118 = tpu.memref_slice %arg3[%add3A_117] : memref<12800000xi32, #tpu.memory_space<hbm>> -> memref<4000xi32, #tpu.memory_space<hbm>>
        %dma_start3A_119 = tpu.memref_slice %arg3[%add3A_117] : memref<12800000xi32, #tpu.memory_space<hbm>> -> memref<4000xi32, #tpu.memory_space<hbm>>
        tpu.enqueue_dma source(%dma_start3A_119 : memref<4000xi32, #tpu.memory_space<hbm>>) target(%arg8 : memref<4000xi32, #tpu.memory_space<vmem>>) target_semaphore(%arg14 : memref<!tpu.dma_semaphore, #tpu.memory_space<semaphore_mem>>)
        %mul3A_120 = arith.constant 2000 : i32
        %mul3A_121 = arith.muli %add3A_112, %mul3A_120 : i32
        %add3A_122 = arith.addi %mul3A_4, %mul3A_121 : i32
        %dma_start3A_123 = tpu.memref_slice %arg6[%add3A_122] : memref<3200000xi32, #tpu.memory_space<hbm>> -> memref<2000xi32, #tpu.memory_space<hbm>>
        %dma_start3A_124 = tpu.memref_slice %arg6[%add3A_122] : memref<3200000xi32, #tpu.memory_space<hbm>> -> memref<2000xi32, #tpu.memory_space<hbm>>
        tpu.enqueue_dma source(%dma_start3A_124 : memref<2000xi32, #tpu.memory_space<hbm>>) target(%arg12 : memref<2000xi32, #tpu.memory_space<vmem>>) target_semaphore(%arg14 : memref<!tpu.dma_semaphore, #tpu.memory_space<semaphore_mem>>)
      } else {
      }
      %mul3A_85 = arith.constant 2 : i32
      %mul3A_86 = arith.muli %add3A_62, %mul3A_85 : i32
      %add3A_87 = arith.constant 1 : i32
      %add3A_88 = arith.addi %mul3A_86, %add3A_87 : i32
      %mul3A_89 = arith.constant 4000 : i32
      %mul3A_90 = arith.muli %add3A_88, %mul3A_89 : i32
      %add3A_91 = arith.addi %mul3A_2, %mul3A_90 : i32
      %add3A_92 = arith.constant 6400000 : i32
      %add3A_93 = arith.addi %add3A_92, %add3A_91 : i32
      %dma_wait3A_94 = tpu.memref_slice %arg3[%add3A_93] : memref<12800000xi32, #tpu.memory_space<hbm>> -> memref<4000xi32, #tpu.memory_space<hbm>>
      %dma_wait3A_95 = tpu.memref_slice %arg3[%add3A_93] : memref<12800000xi32, #tpu.memory_space<hbm>> -> memref<4000xi32, #tpu.memory_space<hbm>>
      tpu.wait_dma2 semaphore(%arg15 : memref<!tpu.dma_semaphore, #tpu.memory_space<semaphore_mem>>) src(%dma_wait3A_95 : memref<4000xi32, #tpu.memory_space<hbm>>) dst(%arg9 : memref<4000xi32, #tpu.memory_space<vmem>>)
      %mul3A_96 = arith.constant 2000 : i32
      %mul3A_97 = arith.muli %add3A_88, %mul3A_96 : i32
      %add3A_98 = arith.addi %mul3A_4, %mul3A_97 : i32
      %dma_wait3A_99 = tpu.memref_slice %arg6[%add3A_98] : memref<3200000xi32, #tpu.memory_space<hbm>> -> memref<2000xi32, #tpu.memory_space<hbm>>
      %dma_wait3A_100 = tpu.memref_slice %arg6[%add3A_98] : memref<3200000xi32, #tpu.memory_space<hbm>> -> memref<2000xi32, #tpu.memory_space<hbm>>
      tpu.wait_dma2 semaphore(%arg15 : memref<!tpu.dma_semaphore, #tpu.memory_space<semaphore_mem>>) src(%dma_wait3A_100 : memref<2000xi32, #tpu.memory_space<hbm>>) dst(%arg13 : memref<2000xi32, #tpu.memory_space<vmem>>)
      %parallel_loop3A_101 = arith.constant 0 : i32
      %parallel_loop3A_102 = arith.constant 125 : i32
      %parallel_loop3A_103 = arith.constant 1 : i32
      scf.for %parallel_loop3A_111 = %parallel_loop3A_101 to %parallel_loop3A_102 step %parallel_loop3A_103  : i32 {
        %parallel_loop3A_112 = arith.constant 32 : i32
        %parallel_loop3A_113 = arith.muli %parallel_loop3A_111, %parallel_loop3A_112 : i32
        %parallel_loop3A_114 = arith.constant 16 : i32
        %parallel_loop3A_115 = arith.muli %parallel_loop3A_111, %parallel_loop3A_114 : i32
        %parallel_loop3A_116 = arith.index_cast %parallel_loop3A_115 : i32 to index
        %parallel_loop3A_117 = tpu.vector_load %arg13[%parallel_loop3A_116] {strides = array<i32>} : memref<2000xi32, #tpu.memory_space<vmem>>, vector<16xi32>,
        %parallel_loop3A_118 = vector.bitcast %parallel_loop3A_117 : vector<16xi32> to vector<32xbf16>
        %parallel_loop3A_119 = tpu.unpack_subelements %parallel_loop3A_118, 0 {pack_format = #tpu.pack_format<interleaved>} : vector<32xbf16> -> vector<16xf32>
        %parallel_loop3A_120 = tpu.unpack_subelements %parallel_loop3A_118, 1 {pack_format = #tpu.pack_format<interleaved>} : vector<32xbf16> -> vector<16xf32>
        %parallel_loop3A_121 = arith.index_cast %parallel_loop3A_113 : i32 to index
        %parallel_loop3A_122 = tpu.vector_load %arg9[%parallel_loop3A_121] {strides = array<i32>} : memref<4000xi32, #tpu.memory_space<vmem>>, vector<16xi32>,
        %parallel_loop3A_123 = arith.constant 16 : i32
        %parallel_loop3A_124 = arith.addi %parallel_loop3A_113, %parallel_loop3A_123 : i32
        %parallel_loop3A_125 = arith.index_cast %parallel_loop3A_124 : i32 to index
        %parallel_loop3A_126 = tpu.vector_load %arg9[%parallel_loop3A_125] {strides = array<i32>} : memref<4000xi32, #tpu.memory_space<vmem>>, vector<16xi32>,
        tpu.vector_store_idx %arg7[%parallel_loop3A_122], %parallel_loop3A_119 {add = true} : memref<100352xf32, #tpu.memory_space<vmem>>[vector<16xi32>], vector<16xf32>,
        tpu.vector_store_idx %arg7[%parallel_loop3A_126], %parallel_loop3A_120 {add = true} : memref<100352xf32, #tpu.memory_space<vmem>>[vector<16xi32>], vector<16xf32>,
      } {sc.loop_unroll_factor = 4 : i64, sc.parallel_access}
      %add3A_104 = arith.constant 2 : i32
      %add3A_105 = arith.addi %add3A_88, %add3A_104 : i32
      %lt3A_106 = arith.constant 50 : i32
      %lt3A_107 = arith.cmpi slt, %add3A_105, %lt3A_106 : i32
      %convert_element_type3A_108 = arith.extui %lt3A_107 : i1 to i32
      %cond3A_109 = arith.constant 0 : i32
      %cond3A_110 = arith.cmpi ne, %convert_element_type3A_108, %cond3A_109 : i32
      scf.if %cond3A_110 {
        %add3A_111 = arith.constant 2 : i32
        %add3A_112 = arith.addi %add3A_88, %add3A_111 : i32
        %mul3A_113 = arith.constant 4000 : i32
        %mul3A_114 = arith.muli %add3A_112, %mul3A_113 : i32
        %add3A_115 = arith.addi %mul3A_2, %mul3A_114 : i32
        %add3A_116 = arith.constant 6400000 : i32
        %add3A_117 = arith.addi %add3A_116, %add3A_115 : i32
        %dma_start3A_118 = tpu.memref_slice %arg3[%add3A_117] : memref<12800000xi32, #tpu.memory_space<hbm>> -> memref<4000xi32, #tpu.memory_space<hbm>>
        %dma_start3A_119 = tpu.memref_slice %arg3[%add3A_117] : memref<12800000xi32, #tpu.memory_space<hbm>> -> memref<4000xi32, #tpu.memory_space<hbm>>
        tpu.enqueue_dma source(%dma_start3A_119 : memref<4000xi32, #tpu.memory_space<hbm>>) target(%arg9 : memref<4000xi32, #tpu.memory_space<vmem>>) target_semaphore(%arg15 : memref<!tpu.dma_semaphore, #tpu.memory_space<semaphore_mem>>)
        %mul3A_120 = arith.constant 2000 : i32
        %mul3A_121 = arith.muli %add3A_112, %mul3A_120 : i32
        %add3A_122 = arith.addi %mul3A_4, %mul3A_121 : i32
        %dma_start3A_123 = tpu.memref_slice %arg6[%add3A_122] : memref<3200000xi32, #tpu.memory_space<hbm>> -> memref<2000xi32, #tpu.memory_space<hbm>>
        %dma_start3A_124 = tpu.memref_slice %arg6[%add3A_122] : memref<3200000xi32, #tpu.memory_space<hbm>> -> memref<2000xi32, #tpu.memory_space<hbm>>
        tpu.enqueue_dma source(%dma_start3A_124 : memref<2000xi32, #tpu.memory_space<hbm>>) target(%arg13 : memref<2000xi32, #tpu.memory_space<vmem>>) target_semaphore(%arg15 : memref<!tpu.dma_semaphore, #tpu.memory_space<semaphore_mem>>)
      } else {
      }
    }
    %scan3A_57 = arith.constant 25 : i32
    "tpu.region"() ({
      %run_scoped3A = tpu.sem_alloc : memref<!tpu.dma_semaphore, #tpu.memory_space<semaphore_mem>>
      %dma_start3A_58 = arith.constant 0 : i32
      %dma_start3A_59 = tpu.memref_slice %arg5[%add3A, %dma_start3A_58] : memref<32x100352xf32, #tpu.memory_space<hbm>> -> memref<1x100352xf32, #tpu.memory_space<hbm>>
      %dma_start3A_60 = tpu.memref_squeeze %dma_start3A_59 : memref<1x100352xf32, #tpu.memory_space<hbm>> -> memref<100352xf32, #tpu.memory_space<hbm>>
      %dma_start3A_61 = arith.constant 0 : i32
      %dma_start3A_62 = tpu.memref_slice %arg5[%add3A, %dma_start3A_61] : memref<32x100352xf32, #tpu.memory_space<hbm>> -> memref<1x100352xf32, #tpu.memory_space<hbm>>
      %dma_start3A_63 = tpu.memref_squeeze %dma_start3A_62 : memref<1x100352xf32, #tpu.memory_space<hbm>> -> memref<100352xf32, #tpu.memory_space<hbm>>
      tpu.enqueue_dma source(%arg7 : memref<100352xf32, #tpu.memory_space<vmem>>) target(%dma_start3A_63 : memref<100352xf32, #tpu.memory_space<hbm>>) target_semaphore(%run_scoped3A : memref<!tpu.dma_semaphore, #tpu.memory_space<semaphore_mem>>)
      %dma_wait3A_64 = arith.constant 0 : i32
      %dma_wait3A_65 = tpu.memref_slice %arg5[%add3A, %dma_wait3A_64] : memref<32x100352xf32, #tpu.memory_space<hbm>> -> memref<1x100352xf32, #tpu.memory_space<hbm>>
      %dma_wait3A_66 = tpu.memref_squeeze %dma_wait3A_65 : memref<1x100352xf32, #tpu.memory_space<hbm>> -> memref<100352xf32, #tpu.memory_space<hbm>>
      %dma_wait3A_67 = arith.constant 0 : i32
      %dma_wait3A_68 = tpu.memref_slice %arg5[%add3A, %dma_wait3A_67] : memref<32x100352xf32, #tpu.memory_space<hbm>> -> memref<1x100352xf32, #tpu.memory_space<hbm>>
      %dma_wait3A_69 = tpu.memref_squeeze %dma_wait3A_68 : memref<1x100352xf32, #tpu.memory_space<hbm>> -> memref<100352xf32, #tpu.memory_space<hbm>>
      tpu.wait_dma2 semaphore(%run_scoped3A : memref<!tpu.dma_semaphore, #tpu.memory_space<semaphore_mem>>) src(%arg7 : memref<100352xf32, #tpu.memory_space<vmem>>) dst(%dma_wait3A_69 : memref<100352xf32, #tpu.memory_space<hbm>>)
      tpu.yield
    }) : () -> ()
    return
  }
}

module attributes {stable_mosaic.version = 14 : i64} {
  func.func @_act_body(%arg0: memref<98x1024xf32, #tpu.memory_space<vmem>>, %arg1: memref<98x1024xf32, #tpu.memory_space<vmem>>, %arg2: memref<98x1024xf32, #tpu.memory_space<vmem>>, %arg3: memref<98x1024xf32, #tpu.memory_space<vmem>>) attributes {dimension_semantics = [], scalar_prefetch = 0 : i64, scratch_operands = 0 : i64, tpu.core_type = #tpu.core_type<tc>} {
    %get3A = arith.constant 0 : index
    %get3A_0 = arith.constant 0 : index
    %get3A_1 = vector.load %arg0[%get3A, %get3A_0] : memref<98x1024xf32, #tpu.memory_space<vmem>>, vector<98x1024xf32>
    %get3A_2 = arith.constant 0 : index
    %get3A_3 = arith.constant 0 : index
    %get3A_4 = vector.load %arg1[%get3A_2, %get3A_3] : memref<98x1024xf32, #tpu.memory_space<vmem>>, vector<98x1024xf32>
    %sub3A = arith.subf %get3A_1, %get3A_4 : vector<98x1024xf32>
    %get3A_5 = arith.constant 0 : index
    %get3A_6 = arith.constant 0 : index
    %get3A_7 = vector.load %arg2[%get3A_5, %get3A_6] : memref<98x1024xf32, #tpu.memory_space<vmem>>, vector<98x1024xf32>
    %div3A = arith.divf %sub3A, %get3A_7 : vector<98x1024xf32>
    %logistic3A = arith.negf %div3A : vector<98x1024xf32>
    %logistic3A_8 = math.exp %logistic3A : vector<98x1024xf32>
    %logistic3A_9 = arith.constant 1.000000e+00 : f32
    %logistic3A_10 = vector.broadcast %logistic3A_9 : f32 to vector<98x1024xf32>
    %logistic3A_11 = arith.addf %logistic3A_10, %logistic3A_8 : vector<98x1024xf32>
    %logistic3A_12 = arith.divf %logistic3A_10, %logistic3A_11 : vector<98x1024xf32>
    %swap3A = arith.constant 0 : index
    %swap3A_13 = arith.constant 0 : index
    %swap3A_14 = vector.load %arg3[%swap3A, %swap3A_13] : memref<98x1024xf32, #tpu.memory_space<vmem>>, vector<98x1024xf32>
    tpu.vector_store %arg3[%swap3A, %swap3A_13], %logistic3A_12 {strides = array<i32>} : memref<98x1024xf32, #tpu.memory_space<vmem>>, vector<98x1024xf32>,
    return
  }
}

module attributes {stable_mosaic.version = 14 : i64} {
  func.func @_post_body(%arg0: memref<32x98x1024xf32, #tpu.memory_space<vmem>>, %arg1: memref<98x1024xf32, #tpu.memory_space<vmem>>, %arg2: memref<98x1024xf32, #tpu.memory_space<vmem>>, %arg3: memref<98x1024xf32, #tpu.memory_space<vmem>>, %arg4: memref<98x1024xf32, #tpu.memory_space<vmem>>, %arg5: memref<98x1024xf32, #tpu.memory_space<vmem>>, %arg6: memref<98x1024xf32, #tpu.memory_space<vmem>>, %arg7: memref<98x1024xf32, #tpu.memory_space<vmem>>, %arg8: memref<98x1024xf32, #tpu.memory_space<vmem>>, %arg9: memref<98x1024xf32, #tpu.memory_space<vmem>>, %arg10: memref<98x1024xf32, #tpu.memory_space<vmem>>, %arg11: memref<98x1024xf32, #tpu.memory_space<vmem>>, %arg12: memref<98x1024xf32, #tpu.memory_space<vmem>>, %arg13: memref<98x1024xf32, #tpu.memory_space<vmem>>, %arg14: memref<98x1024xf32, #tpu.memory_space<vmem>>, %arg15: memref<98x1024xf32, #tpu.memory_space<vmem>>) attributes {dimension_semantics = [], scalar_prefetch = 0 : i64, scratch_operands = 0 : i64, tpu.core_type = #tpu.core_type<tc>} {
    %get3A = arith.constant 0 : index
    %get3A_0 = arith.constant 0 : index
    %get3A_1 = arith.constant 0 : index
    %get3A_2 = vector.load %arg0[%get3A, %get3A_0, %get3A_1] : memref<32x98x1024xf32, #tpu.memory_space<vmem>>, vector<32x98x1024xf32>
    %reduce_sum3A = arith.constant dense<0.000000e+00> : vector<98x1024xf32>
    %reduce_sum3A_3 = vector.multi_reduction <add>, %get3A_2, %reduce_sum3A [0] : vector<32x98x1024xf32> to vector<98x1024xf32>
    %get3A_4 = arith.constant 0 : index
    %get3A_5 = arith.constant 0 : index
    %get3A_6 = vector.load %arg1[%get3A_4, %get3A_5] : memref<98x1024xf32, #tpu.memory_space<vmem>>, vector<98x1024xf32>
    %get3A_7 = arith.constant 0 : index
    %get3A_8 = arith.constant 0 : index
    %get3A_9 = vector.load %arg6[%get3A_7, %get3A_8] : memref<98x1024xf32, #tpu.memory_space<vmem>>, vector<98x1024xf32>
    %get3A_10 = arith.constant 0 : index
    %get3A_11 = arith.constant 0 : index
    %get3A_12 = vector.load %arg3[%get3A_10, %get3A_11] : memref<98x1024xf32, #tpu.memory_space<vmem>>, vector<98x1024xf32>
    %integer_pow3A = arith.mulf %get3A_12, %get3A_12 : vector<98x1024xf32>
    %integer_pow3A_13 = arith.mulf %get3A_12, %integer_pow3A : vector<98x1024xf32>
    %mul3A = arith.mulf %get3A_9, %integer_pow3A_13 : vector<98x1024xf32>
    %get3A_14 = arith.constant 0 : index
    %get3A_15 = arith.constant 0 : index
    %get3A_16 = vector.load %arg4[%get3A_14, %get3A_15] : memref<98x1024xf32, #tpu.memory_space<vmem>>, vector<98x1024xf32>
    %mul3A_17 = arith.mulf %mul3A, %get3A_16 : vector<98x1024xf32>
    %get3A_18 = arith.constant 0 : index
    %get3A_19 = arith.constant 0 : index
    %get3A_20 = vector.load %arg9[%get3A_18, %get3A_19] : memref<98x1024xf32, #tpu.memory_space<vmem>>, vector<98x1024xf32>
    %sub3A = arith.subf %get3A_6, %get3A_20 : vector<98x1024xf32>
    %mul3A_21 = arith.mulf %mul3A_17, %sub3A : vector<98x1024xf32>
    %get3A_22 = arith.constant 0 : index
    %get3A_23 = arith.constant 0 : index
    %get3A_24 = vector.load %arg7[%get3A_22, %get3A_23] : memref<98x1024xf32, #tpu.memory_space<vmem>>, vector<98x1024xf32>
    %get3A_25 = arith.constant 0 : index
    %get3A_26 = arith.constant 0 : index
    %get3A_27 = vector.load %arg5[%get3A_25, %get3A_26] : memref<98x1024xf32, #tpu.memory_space<vmem>>, vector<98x1024xf32>
    %integer_pow3A_28 = arith.mulf %get3A_27, %get3A_27 : vector<98x1024xf32>
    %integer_pow3A_29 = arith.mulf %integer_pow3A_28, %integer_pow3A_28 : vector<98x1024xf32>
    %mul3A_30 = arith.mulf %get3A_24, %integer_pow3A_29 : vector<98x1024xf32>
    %get3A_31 = arith.constant 0 : index
    %get3A_32 = arith.constant 0 : index
    %get3A_33 = vector.load %arg10[%get3A_31, %get3A_32] : memref<98x1024xf32, #tpu.memory_space<vmem>>, vector<98x1024xf32>
    %sub3A_34 = arith.subf %get3A_6, %get3A_33 : vector<98x1024xf32>
    %mul3A_35 = arith.mulf %mul3A_30, %sub3A_34 : vector<98x1024xf32>
    %get3A_36 = arith.constant 0 : index
    %get3A_37 = arith.constant 0 : index
    %get3A_38 = vector.load %arg8[%get3A_36, %get3A_37] : memref<98x1024xf32, #tpu.memory_space<vmem>>, vector<98x1024xf32>
    %get3A_39 = arith.constant 0 : index
    %get3A_40 = arith.constant 0 : index
    %get3A_41 = vector.load %arg11[%get3A_39, %get3A_40] : memref<98x1024xf32, #tpu.memory_space<vmem>>, vector<98x1024xf32>
    %sub3A_42 = arith.subf %get3A_6, %get3A_41 : vector<98x1024xf32>
    %mul3A_43 = arith.mulf %get3A_38, %sub3A_42 : vector<98x1024xf32>
    %get3A_44 = arith.constant 0 : index
    %get3A_45 = arith.constant 0 : index
    %get3A_46 = vector.load %arg12[%get3A_44, %get3A_45] : memref<98x1024xf32, #tpu.memory_space<vmem>>, vector<98x1024xf32>
    %get3A_47 = arith.constant 0 : index
    %get3A_48 = arith.constant 0 : index
    %get3A_49 = vector.load %arg13[%get3A_47, %get3A_48] : memref<98x1024xf32, #tpu.memory_space<vmem>>, vector<98x1024xf32>
    %get3A_50 = arith.constant 0 : index
    %get3A_51 = arith.constant 0 : index
    %get3A_52 = vector.load %arg2[%get3A_50, %get3A_51] : memref<98x1024xf32, #tpu.memory_space<vmem>>, vector<98x1024xf32>
    %mul3A_53 = arith.mulf %get3A_49, %get3A_52 : vector<98x1024xf32>
    %add3A = arith.addf %get3A_46, %mul3A_53 : vector<98x1024xf32>
    %neg3A = arith.constant 0.000000e+00 : f32
    %neg3A_54 = vector.broadcast %neg3A : f32 to vector<98x1024xf32>
    %neg3A_55 = arith.subf %neg3A_54, %mul3A_21 : vector<98x1024xf32>
    %sub3A_56 = arith.subf %neg3A_55, %mul3A_35 : vector<98x1024xf32>
    %sub3A_57 = arith.subf %sub3A_56, %mul3A_43 : vector<98x1024xf32>
    %add3A_58 = arith.addf %sub3A_57, %reduce_sum3A_3 : vector<98x1024xf32>
    %add3A_59 = arith.addf %add3A_58, %add3A : vector<98x1024xf32>
    %get3A_60 = arith.constant 0 : index
    %get3A_61 = arith.constant 0 : index
    %get3A_62 = vector.load %arg14[%get3A_60, %get3A_61] : memref<98x1024xf32, #tpu.memory_space<vmem>>, vector<98x1024xf32>
    %div3A = arith.divf %add3A_59, %get3A_62 : vector<98x1024xf32>
    %swap3A = arith.constant 0 : index
    %swap3A_63 = arith.constant 0 : index
    %swap3A_64 = vector.load %arg15[%swap3A, %swap3A_63] : memref<98x1024xf32, #tpu.memory_space<vmem>>, vector<98x1024xf32>
    tpu.vector_store %arg15[%swap3A, %swap3A_63], %div3A {strides = array<i32>} : memref<98x1024xf32, #tpu.memory_space<vmem>>, vector<98x1024xf32>,
    return
  }
}

</mosaic_0001>

<sc_bundles>
// kernel: kernel.5.cloned.1.call-start
scs
__scs_entry_jumppad:
0x0: {  	(pc) =	sbr.rel $0x88, $3  }
0x1: {  	(tag) =	ssettag $0x0;
	lr =	simm.s32 $0x1  }
0x2: {  	[smem:$0x3F8F] =	sst lr;
	_ =	strace $0xD0000000  }
0x3: {  	_ = 	snop  }
0x4: {  	_ = 	snop  }
0x5: {  	_ = 	snop  }
0x6: {  	_ = 	snop  }
0x7: {  	_ = 	snop  }
__scs_overlays_trampoline_lowered:
0x8: {  	[smem:$0x3F9E] =	sst s0  }
0x9: {  	[smem:$0x3F9F] =	sst s1  }
0xa: {  	[smem:$0x3FA0] =	sst s2  }
0xb: {  	[smem:$0x3FA1] =	sst s3  }
0xc: {  	[smem:$0x3FA2] =	sst s4  }
0xd: {  	[smem:$0x3FA3] =	sst s5  }
0xe: {  	[smem:$0x3FA4] =	sst s6  }
0xf: {  	[smem:$0x3FA5] =	sst s7  }
0x10: {  	[smem:$0x3FA6] =	sst s8  }
0x11: {  	[smem:$0x3FA7] =	sst s9;
	s0 =	simm.s32 @!p0 $0x0  }
0x12: {  	s1 =	sld [smem:$0x3F8D];
	s0 =	simm.s32 @p0 $0x1  }
0x13: {  	[smem:$0x3FA8] =	sst s0;
	s0 =	simm.s32 @!p1 $0x0  }
0x14: {  	s2 =	sld [smem:$0x3F8C];
	s0 =	simm.s32 @p1 $0x1  }
0x15: {  	[smem:$0x3FA9] =	sst s0;
	s0 =	simm.s32 @!p2 $0x0  }
0x16: {  	s3 =	sld [smem:$0x3FDB];
	s0 =	simm.s32 @p2 $0x1  }
0x17: {  	s4 =	simm.s32 $0x1BF5;
	[smem:$0x3FAB] =	sst s0  }
0x18: {  	s0 =	sld [smem:$0x3F8E];
	_ =	swait.ge [sflag:s4], $0x0  }
0x19: {  	s7 =	sld [smem:$0x3F8F]  }
0x1a: {  	s8 =	sadd.s32 $0xFFFFE003, lr  }
0x1b: {  	s9 =	sadd.s32 $0xFFFFFEF7, lr;
	s5 =	simm.s32 $0xFFFFFFFF;
	p2 =	slt.u32 s8, $0xFFFFF086  }
0x1c: {  	p1 =	slt.u32 s9, $0xF7A;
	s5 =	simm.s32 @!p2 $0x0  }
0x1d: {  	s5 =	simm.s32 @p1 $0x1;
	p0 =	seq.s32 s7, s2  }
0x1e: {  	s7 =	smul.u32 @!p0 $0xF7A, s2;
	p2 =	seq.s32 @!p0 s5, $0x0  }
0x1f: {  	s9 =	smul.u32 $0xF7A, s1;
	s8 =	simm.s32 @!p0 $0x1BF5;
	p2 =	por !p2, p0  }
0x20: {  	[sflag:s8] =	ssyncset.s32 @!p0 $0xFFFFF086;
	s6 =	sadd.s32 @!p0 s3, s7;
	s7 =	simm.s32 @!p0 $0x108  }
0x21: {  	s3 =	sadd.s32 s3, s9;
	s6 =	sadd.s32 @!p0 $0x88, s6;
	s7 =	simm.s32 @p2 $0x1082  }
0x22: {  	[simem:s7], [sflag:s8] =	dma.local @!p0 [hbm:s6], $0xF7A  }
0x23: {  	s9 =	sor.u32 $0xD0000000, s2;
	s6 =	simm.s32 $0x108;
	_ =	swait.ge @!p0 [sflag:s8], $0x0  }
0x24: {  	s3 =	sadd.s32 $0x88, s3;
	s6 =	simm.s32 @!p1 $0x1082;
	[sflag:s4] =	ssyncset.s32 $0xFFFFF086  }
0x25: {  	[simem:s6], [sflag:s4] =	dma.local [hbm:s3], $0xF7A  }
0x26: {  	[smem:$0x3F8F] =	sst s1;
	(tag) =	ssettag s2;
	_ =	strace s9  }
0x27: {  	s1 =	sld [smem:$0x3F9F]  }
0x28: {  	s2 =	sld [smem:$0x3FA0]  }
0x29: {  	s4 =	sld [smem:$0x3FA2]  }
0x2a: {  	p0 =	seq.s32 s5, $0x0;
	s5 =	sld [smem:$0x3FA3]  }
0x2b: {  	s6 =	sld [smem:$0x3FA4]  }
0x2c: {  	s7 =	sld [smem:$0x3FA5]  }
0x2d: {  	s3 =	simm.s32 $0x108;
	s8 =	sld [smem:$0x3FA6]  }
0x2e: {  	s3 =	simm.s32 @!p0 $0x1082;
	s9 =	sld [smem:$0x3FA7]  }
0x2f: {  	lr =	sadd.s32 s0, s3;
	s0 =	sld [smem:$0x3F9E]  }
0x30: {  	s3 =	sld [smem:$0x3FA1]  }
0x31: {  	[smem:$0x3FAA] =	sst s10  }
0x32: {  	s10 =	sld [smem:$0x3FA8];
	_ =	sdelay $0x3  }
0x33: {  	p0 =	seq.s32 s10, $0x1;
	s10 =	sld [smem:$0x3FAA];
	_ =	sdelay $0x3  }
0x34: {  	[smem:$0x3FAA] =	sst s10  }
0x35: {  	s10 =	sld [smem:$0x3FA9];
	_ =	sdelay $0x3  }
0x36: {  	p1 =	seq.s32 s10, $0x1;
	s10 =	sld [smem:$0x3FAA];
	_ =	sdelay $0x3  }
0x37: {  	[smem:$0x3FAA] =	sst s10  }
0x38: {  	s10 =	sld [smem:$0x3FAB]  }
0x39: {  	_ = 	snop;
	(pc) =	sbr.ind lr, $3  }
0x3a: {  	_ = 	snop  }
0x3b: {  	_ = 	snop  }
0x3c: {  	p2 =	seq.s32 s10, $0x1;
	s10 =	sld [smem:$0x3FAA]  }
0x3d: {  	_ =	shalt  }
0x3e: {  	_ =	shalt  }
0x3f: {  	_ =	shalt  }
0x40: {  	_ =	shalt  }
0x41: {  	_ =	shalt  }
0x42: {  	_ =	shalt  }
0x43: {  	_ =	shalt  }
0x44: {  	_ =	shalt  }
0x45: {  	_ =	shalt  }
0x46: {  	_ =	shalt  }
0x47: {  	_ =	shalt  }
0x48: {  	_ =	shalt  }
0x49: {  	_ =	shalt  }
0x4a: {  	_ =	shalt  }
0x4b: {  	_ =	shalt  }
0x4c: {  	_ =	shalt  }
0x4d: {  	_ =	shalt  }
0x4e: {  	_ =	shalt  }
0x4f: {  	_ =	shalt  }
0x50: {  	_ =	shalt  }
0x51: {  	_ =	shalt  }
0x52: {  	_ =	shalt  }
0x53: {  	_ =	shalt  }
0x54: {  	_ =	shalt  }
0x55: {  	_ =	shalt  }
0x56: {  	_ =	shalt  }
0x57: {  	_ =	shalt  }
0x58: {  	_ =	shalt  }
0x59: {  	_ =	shalt  }
0x5a: {  	_ =	shalt  }
0x5b: {  	_ =	shalt  }
0x5c: {  	_ =	shalt  }
0x5d: {  	_ =	shalt  }
0x5e: {  	_ =	shalt  }
0x5f: {  	_ =	shalt  }
0x60: {  	_ =	shalt  }
0x61: {  	_ =	shalt  }
0x62: {  	_ =	shalt  }
0x63: {  	_ =	shalt  }
0x64: {  	_ =	shalt  }
0x65: {  	_ =	shalt  }
0x66: {  	_ =	shalt  }
0x67: {  	_ =	shalt  }
0x68: {  	_ =	shalt  }
0x69: {  	_ =	shalt  }
0x6a: {  	_ =	shalt  }
0x6b: {  	_ =	shalt  }
0x6c: {  	_ =	shalt  }
0x6d: {  	_ =	shalt  }
0x6e: {  	_ =	shalt  }
0x6f: {  	_ =	shalt  }
0x70: {  	_ =	shalt  }
0x71: {  	_ =	shalt  }
0x72: {  	_ =	shalt  }
0x73: {  	_ =	shalt  }
0x74: {  	_ =	shalt  }
0x75: {  	_ =	shalt  }
0x76: {  	_ =	shalt  }
0x77: {  	_ =	shalt  }
0x78: {  	_ =	shalt  }
0x79: {  	_ =	shalt  }
0x7a: {  	_ =	shalt  }
0x7b: {  	_ =	shalt  }
0x7c: {  	_ =	shalt  }
0x7d: {  	_ =	shalt  }
0x7e: {  	_ =	shalt  }
0x7f: {  	_ =	shalt  }
0x80: {  	_ =	shalt  }
0x81: {  	_ =	shalt  }
0x82: {  	_ =	shalt  }
0x83: {  	_ =	shalt  }
0x84: {  	_ =	shalt  }
0x85: {  	_ =	shalt  }
0x86: {  	_ =	shalt  }
0x87: {  	_ =	shalt  }
.Lfunc_end0:
.L_simem_size_0:
called_computation.1_lowered:
.L_overlay_start_0:
0x88: {  	s2 =	sld [smem:$0x3FD9]  }
0x89: {  	s3 =	sld [smem:$0x3FFE];
	_ =	sdelay $0x1  }
0x8a: {  	s1 =	srdreg.scid  }
0x8b: {  	s0 =	sand.u32 $0x1, s1  }
0x8c: {  	s17 =	sshll.u32 s0, $0xA;
	s2 =	sadd.s32 s3, s2  }
0x8d: {  	s2 =	sadd.s32 s2, s17  }
0x8e: {  	[smem:$0x3FB6] =	sst s2  }
0x8f: {  	_ = 	snop  }
0x90: {  	s2 =	sld [smem:$0x3FC3];
	(tm) =	ssettm $0x1  }
0x91: {  	s18 =	sld [smem:$0x3FFB];
	_ =	sdelay $0x3  }
0x92: {  	_ =	strace s18  }
0x93: {  	s3 =	sld [smem:$0x3FFC];
	_ =	sdelay $0x3  }
0x94: {  	_ =	strace s3  }
0x95: {  	s3 =	sld [smem:$0x3FFD];
	_ =	sdelay $0x3  }
0x96: {  	_ =	strace s3  }
0x97: {  	_ =	strace $0x8FFFFFFF  }
0x98: {  	s19 =	sld [smem:$0x3FDB];
	_ =	sdelay $0x1  }
0x99: {  	s4 =	simm.s32 $_scs_section_size  }
0x9a: {  	s5 =	simm.s32 $_size__tile_overlayer_lowered;
	s6 =	simm.s32 $_tile_overlayer_lowered  }
0x9b: {  	s22 =	simm.s32 $0x1BFF;
	s21 =	sshll.u32 s6, $0x1;
	s3 =	sadd.s32 s4, s19  }
0x9c: {  	s7 =	simm.s32 $0x0;
	s20 =	sshll.u32 s5, $0x1;
	s5 =	sadd.s32 s21, s3  }
0x9d: {  	[timem:s7], [sflag:s22] =	dma.local [hbm:s5], s20  }
0x9e: {  	_ =	swait.ge [sflag:s22], s20  }
0x9f: {  	s4 =	ssub.s32 $0x0, s20;
	[sflag:s22] =	ssyncset.done $0x0  }
0xa0: {  	[sflag:s22] =	ssyncadd.s32 s4;
	_ =	sdelay $0x1  }
0xa1: {  	s23 =	simm.s32 $0x1B8B  }
0xa2: {  	_ =	swait.ge [sflag:s23], $0x1  }
0xa3: {  	[sflag:s23] =	ssyncset.done $0x0  }
0xa4: {  	s25 =	simm.s32 $0x1B8E;
	s24 =	sld [smem:$0x3FFE];
	[sflag:s23] =	ssyncadd.s32 $0xFFFFFFFF  }
0xa5: {  	s26 =	simm.s32 $execute0_lowered;
	[smem:$0x3FD2] =	sst s25  }
0xa6: {  	s5 =	sshll.u32 s26, $0x1;
	_ =	strace $0x80000049;
	[dreg:$0x1] =	wrdreg $0xFFFFFFFF  }
0xa7: {  	s28 =	simm.s32 $_size_execute0_lowered;
	s3 =	sadd.s32 s3, s5;
	[dreg:$0x0] =	wrdreg $0x0  }
0xa8: {  	s5 =	sshll.u32 s28, $0x1;
	[dreg:$0x2] =	wrdreg s3  }
0xa9: {  	[dreg:$0x3] =	wrdreg s5  }
0xaa: {  	[dreg:$0x4] =	wrdreg $0xC0  }
0xab: {  	_ =	task [dreg:s7], $0x5FFFF  }
0xac: {  	[dreg:$0x1] =	wrdreg $0xFFFFFFFF  }
0xad: {  	[dreg:$0x0] =	wrdreg $0x60  }
0xae: {  	[dreg:$0x2] =	wrdreg s24  }
0xaf: {  	[dreg:$0x3] =	wrdreg s2  }
0xb0: {  	[dreg:$0x4] =	wrdreg $0x9  }
0xb1: {  	_ =	task.clear_ibuf [dreg:s7], $0x5FFFF;
	_ =	strace $0x90000049  }
0xb2: {  	s29 =	simm.s32 $0x9;
	_ =	strace $0x8000004B  }
0xb3: {  	_ =	swait.ge [sflag:s29], $0x1  }
0xb4: {  	[sflag:s29] =	ssyncadd.s32 $0xFFFFFFFF  }
0xb5: {  	_ =	strace $0x9000004B  }
0xb6: {  	_ =	sfence  }
0xb7: {  	s30 =	sld [smem:$0x0];
	_ =	sdelay $0x2  }
0xb8: {  	s31 =	sshll.u32 s1, $0xD;
	s1 =	sshrl.u32 s1, $0x2  }
0xb9: {  	s3 =	sand.u32 $0x4000, s31;
	s1 =	sadd.s32 s1, s30  }
0xba: {  	s0 =	sor.u32 s3, s0;
	s1 =	sshll.u32 s1, $0x11  }
0xbb: {  	s0 =	sor.u32 s1, s0  }
0xbc: {  	s0 =	sadd.s32 $0x8F2B, s0  }
0xbd: {  	[sflag:s0] =	ssyncadd.remote.s32 $0x1  }
0xbe: {  	_ =	sfence.sel $0xFFFF  }
0xbf: {  	[dreg:$0x0] =	wrdreg $0xFFFFFFFF;
	(pc) =	sbr.abs _section_cstart, $3  }
0xc0: {  	[dreg:$0x1] =	wrdreg $0xFFFFFFFF  }
0xc1: {  	_ =	task.clear_ibuf [dreg:s7], $0x2FFFF;
	_ =	strace $0x9FFFFFFF  }
0xc2: {  	(tm) =	ssettm $0x7FFFFFFF  }
0xc3: {  	_ =	shalt  }
tec
execute0_lowered:
.L_overlay_start_1:
0x0: {  	(tag) =	ssettag $0x1  }
0x1: {  	s0 =	srdreg.scid;
	s1 =	rddreg [dreg:$0x0]  }
0x2: {  	s6 =	stileid.u32;
	s2 =	rddreg [dreg:$0x1];
	s28 =	simm.s32 $0x1  }
0x3: {  	s29 =	simm.s32 $0x1C800;
	s30 =	simm.s32 $0x2;
	s0 =	sand.u32 $0x1, s0  }
0x4: {  	s31 =	simm.s32 $0x1D000;
	s7 =	sadd.s32 $0x189600, s1;
	s3 =	sshll.u32 s0, $0x4  }
0x5: {  	s0 =	ssub.s32 $0x2, s0;
	s4 =	sor.u32 s6, s3;
	s3 =	simm.s32 $0x0  }
0x6: {  	s6 =	sshll.u32 s6, $0x7;
	s16 =	sshrl.u32 s0, $0x1;
	s5 =	sshrl.u32 s4, $0x3  }
0x7: {  	[smem:$0x7FF] =	sst s3;
	s6 =	sand.u32 $0x380, s6;
	s9 =	smul.u32 $0x30D40, s4  }
0x8: {  	s0 =	ssub.s32 s0, s16;
	s5 =	smul.u32 $0xC4000, s5;
	_ =	strace $0x8000004A  }
0x9: {  	[dreg:$0x3] =	wrdreg s7;
	s7 =	smul.u32 $0x186A0, s4;
	s17 =	sshrl.u32 s9, $0x3  }
0xa: {  	s12 =	sadd.s32 $0x1F40, s9;
	s14 =	sadd.s32 $0x61A800, s9;
	s15 =	sadd.s32 $0x2EE0, s9  }
0xb: {  	s5 =	sor.u32 s6, s5;
	s18 =	sadd.s32 $0x1F4, s17;
	s13 =	sadd.s32 $0x7D0, s7  }
0xc: {  	s21 =	sshrl.u32 s14, $0x3;
	s22 =	sshrl.u32 s7, $0x3;
	s6 =	sshrl.u32 s5, $0x3  }
0xd: {  	s5 =	sadd.s32 $0x2C00, s1;
	s20 =	sadd.s32 s2, s18;
	s10 =	sadd.s32 s6, s1  }
0xe: {  	s6 =	sadd.s32 $0x18C800, s1;
	s1 =	sadd.s32 s2, s17;
	[dreg:$0x6] =	wrdreg s20  }
0xf: {  	s24 =	sshrl.u32 s13, $0x3;
	s19 =	sadd.s32 s5, s18;
	[dreg:$0x4] =	wrdreg s1  }
0x10: {  	s8 =	sadd.s32 s5, s17;
	[dreg:$0x5] =	wrdreg s19;
	s1 =	sadd.s32 s5, s21  }
0x11: {  	s20 =	simm.s32 $0x18800;
	s23 =	sadd.s32 s6, s22;
	[dreg:$0x7] =	wrdreg s1  }
.Ltmp0:
0x12: {  	s25 =	sadd.s32 $0xC36F4, s8;
	[dreg:$0x8] =	wrdreg s23;
	(pc) =	sbr.rel .LBB2_1-.Ltmp0, $4  }
0x13: {  	s26 =	sadd.s32 $0x1EE400, s10;
	s21 =	smax.u32 s0, $0x1;
	[dreg:$0x9] =	wrdreg s25  }
0x14: {  	s0 =	simm.s32 $0x4;
	s1 =	sadd.s32 s6, s24;
	[dreg:$0xb] =	wrdreg s26  }
0x15: {  	s24 =	simm.s32 $0x19800;
	s25 =	simm.s32 $0x1B800;
	s26 =	simm.s32 $0x5  }
0x16: {  	v0 =	vimm.f32 $0.0e+00;
	s23 =	simm.s32 $0x0;
	[dreg:$0xa] =	wrdreg s1;
	s1 =	simm.s32 $0x3  }
.LBB2_17:
0x17: {  	s23 =	sadd.s32 $0x1, s23  }
0x18: {  	s4 =	rddreg [dreg:$0xb];
	p0 =	sne.s32 s23, s21  }
.Ltmp1:
0x19: {  	s9 =	simm.s32 $0x80;
	s10 =	simm.s32 $0x400;
	(pc) =	sbr.rel @!p0 .LBB2_18-.Ltmp1, $4  }
0x1a: {  	[hbm4b:s4+s9] =	stream.strided.scatter [tilespmem:s3], [sflag:$0x5], $0x18800, s10, s9, $0x38;
	[tilespmem:$0x1D800] =	vst v63  }
0x1b: {  	_ =	swait.ge [sflag:s26], $0x18800  }
0x1c: {  	[sflag:s26] =	ssyncset.done $0x0  }
0x1d: {  	[sflag:s26] =	ssyncadd.s32 $0xFFFE7800  }
.LBB2_1:
0x1e: {  	[tilespmem:s20], [sflag:$0x1] =	stream.linear.gather [hbm4b:s8+s3], $0xFA0, $0x38;
	[tilespmem:$0x1D800] =	vst v63  }
0x1f: {  	s4 =	rddreg [dreg:$0x4];
	s9 =	simm.s32 $0x1A800  }
0x20: {  	[tilespmem:s9], [sflag:$0x1] =	stream.linear.gather [hbm4b:s4+s3], $0xFA0, $0x38;
	[tilespmem:$0x1D800] =	vst v63  }
0x21: {  	s19 =	rddreg [dreg:$0x5]  }
0x22: {  	[tilespmem:s24], [sflag:$0x2] =	stream.linear.gather [hbm4b:s19+s3], $0xFA0, $0x38;
	[tilespmem:$0x1D800] =	vst v63  }
0x23: {  	s20 =	rddreg [dreg:$0x6]  }
0x24: {  	[tilespmem:s25], [sflag:$0x2] =	stream.linear.gather [hbm4b:s20+s3], $0xFA0, $0x38;
	[tilespmem:$0x1D800] =	vst v63  }
0x25: {  	s22 =	rddreg [dreg:$0x3]  }
0x26: {  	[tilespmem:s3], [sflag:$0x5] =	stream.linear.gather [hbm4b:s22+s3], $0x18800, $0x38;
	[tilespmem:$0x1D800] =	vst v63  }
0x27: {  	_ =	swait.ge [sflag:s26], $0x18800  }
0x28: {  	[sflag:s26] =	ssyncset.done $0x0  }
0x29: {  	s4 =	simm.s32 $0x0;
	[sflag:s26] =	ssyncadd.s32 $0xFFFE7800  }
.LBB2_2:
0x2a: {  	_ =	swait.ge [sflag:s28], $0xFA0  }
0x2b: {  	[sflag:s28] =	ssyncset.done $0x0  }
0x2c: {  	[sflag:s28] =	ssyncadd.s32 $0xFFFFF060  }
0x2d: {  	_ =	swait.ge [sflag:s28], $0xFA0  }
0x2e: {  	p0 =	seq.s32 s4, $0x0;
	[sflag:s28] =	ssyncset.done $0x0  }
0x2f: {  	s9 =	simm.s32 @!p0 $0x3;
	[sflag:s28] =	ssyncadd.s32 $0xFFFFF060  }
0x30: {  	_ =	swait.ge @!p0 [sflag:s9], $0x7D0  }
0x31: {  	[sflag:s9] =	ssyncset.done @!p0 $0x0  }
0x32: {  	s10 =	simm.s32 $0x40;
	[sflag:s9] =	ssyncadd.s32 @!p0 $0xFFFFF830;
	s9 =	simm.s32 $0x18840  }
0x33: {  	s11 =	simm.s32 $0x20;
	s16 =	sor.u32 $0x50, s10;
	v1 =	vld [tilespmem:s9+$0x0]  }
0x34: {  	s22 =	simm.s32 $0x60;
	s11 =	sor.u32 $0x30, s11;
	v2 =	vld [tilespmem:s16+$0x18800]  }
0x35: {  	s17 =	sor.u32 $0x70, s22;
	v3 =	vld [tilespmem:s11+$0x18800]  }
0x36: {  	v4 =	vld [tilespmem:s17+$0x18800]  }
0x37: {  	v5 =	vld [tilespmem:s9+$0xFFFFFFD0]  }
0x38: {  	v6 =	vld [tilespmem:s9+$0xFFFFFFE0]  }
0x39: {  	s10 =	simm.s32 $0x1A840;
	v7 =	vld [tilespmem:s9+$0x20]  }
0x3a: {  	v8 =	vld [tilespmem:s10+$0x0]  }
0x3b: {  	v11 =	vld [tilespmem:s16+$0x1A800]  }
0x3c: {  	v12 =	vld [tilespmem:s9+$0xFFFFFFC0]  }
0x3d: {  	v9 =	vld.idx.msk [tilespmem:v1+s3+$0x0], $0xffff  }
0x3e: {  	v10 =	vld.idx.msk [tilespmem:v2+s3+$0x0], $0xffff  }
0x3f: {  	v13 =	vld.idx.msk [tilespmem:v3+s3+$0x0], $0xffff  }
0x40: {  	v4 =	vld.idx.msk [tilespmem:v4+s3+$0x0], $0xffff  }
0x41: {  	v3 =	vld.idx.msk [tilespmem:v5+s3+$0x0], $0xffff  }
0x42: {  	v2 =	vld.idx.msk [tilespmem:v6+s3+$0x0], $0xffff  }
0x43: {  	v1 =	vld.idx.msk [tilespmem:v7+s3+$0x0], $0xffff  }
0x44: {  	v5 =	vld [tilespmem:s11+$0x1A800]  }
0x45: {  	v7 =	vld [tilespmem:s17+$0x1A800]  }
0x46: {  	v6 =	vld.idx.msk [tilespmem:v12+s3+$0x0], $0xffff;
	v9 =	vmul.f32 v8, v9;
	v10 =	vmul.f32 v11, v10  }
0x47: {  	v8 =	vld [tilespmem:s10+$0xFFFFFFC0]  }
0x48: {  	s11 =	simm.s32 $0x1C820;
	v10 =	vpack.i.f32.bf16 v10, v9;
	v9 =	vld [tilespmem:s10+$0xFFFFFFD0]  }
0x49: {  	s22 =	simm.s32 $0x0;
	s16 =	simm.s32 $0xE0;
	v5 =	vmul.f32 v5, v13;
	[tilespmem:s11+$0x0] =	vst v10;
	v10 =	vld [tilespmem:s10+$0xFFFFFFE0]  }
.LBB2_3:
0x4a: {  	s17 =	sadd.s32 $0xFFFFFFE0, s16;
	s22 =	sadd.s32 $0x4, s22;
	v11 =	vld [tilespmem:s10+$0x20];
	v4 =	vmul.f32 v7, v4;
	s9 =	sadd.s32 $0x80, s9  }
0x4b: {  	s18 =	sadd.s32 $0xFFFFFFC0, s16;
	v7 =	vld [tilespmem:s9+$0x0];
	s17 =	sor.u32 $0x50, s17;
	p1 =	slt.u32 s22, $0x78  }
0x4c: {  	s19 =	sor.u32 $0x70, s16;
	s18 =	sor.u32 $0x30, s18;
	v12 =	vld [tilespmem:s17+$0x18800];
	v6 =	vmul.f32 v8, v6  }
0x4d: {  	v8 =	vld [tilespmem:s18+$0x18800];
	v3 =	vmul.f32 v9, v3  }
0x4e: {  	v9 =	vld [tilespmem:s19+$0x18800];
	v2 =	vmul.f32 v10, v2  }
0x4f: {  	v10 =	vld [tilespmem:s9+$0xFFFFFFD0];
	v3 =	vpack.i.f32.bf16 v3, v6;
	v1 =	vmul.f32 v11, v1  }
0x50: {  	v6 =	vld [tilespmem:s9+$0xFFFFFFE0];
	[tilespmem:s11+$0xFFFFFFE0] =	vst v3;
	v2 =	vpack.i.f32.bf16 v5, v2  }
0x51: {  	s10 =	sadd.s32 $0x80, s10;
	v5 =	vld [tilespmem:s9+$0x20];
	[tilespmem:s11+$0xFFFFFFF0] =	vst v2;
	v1 =	vpack.i.f32.bf16 v4, v1  }
0x52: {  	v11 =	vld [tilespmem:s10+$0x0];
	[tilespmem:s11+$0x10] =	vst v1  }
0x53: {  	v1 =	vld.idx.msk [tilespmem:v7+s3+$0x0], $0xffff  }
0x54: {  	v7 =	vld.idx.msk [tilespmem:v12+s3+$0x0], $0xffff  }
0x55: {  	v12 =	vld [tilespmem:s17+$0x1A800]  }
0x56: {  	v13 =	vld [tilespmem:s9+$0xFFFFFFC0]  }
0x57: {  	v14 =	vld.idx.msk [tilespmem:v8+s3+$0x0], $0xffff  }
0x58: {  	v4 =	vld.idx.msk [tilespmem:v9+s3+$0x0], $0xffff  }
0x59: {  	v3 =	vld.idx.msk [tilespmem:v10+s3+$0x0], $0xffff  }
0x5a: {  	v2 =	vld.idx.msk [tilespmem:v6+s3+$0x0], $0xffff;
	v6 =	vmul.f32 v11, v1;
	v7 =	vmul.f32 v12, v7  }
0x5b: {  	v1 =	vld.idx.msk [tilespmem:v5+s3+$0x0], $0xffff  }
0x5c: {  	s11 =	sadd.s32 $0x40, s11;
	v5 =	vld [tilespmem:s18+$0x1A800];
	v6 =	vpack.i.f32.bf16 v7, v6  }
.Ltmp2:
0x5d: {  	[tilespmem:s11+$0x0] =	vst v6;
	v7 =	vld [tilespmem:s19+$0x1A800];
	(pc) =	sbr.rel @p1 .LBB2_3-.Ltmp2, $4  }
0x5e: {  	v6 =	vld.idx.msk [tilespmem:v13+s3+$0x0], $0xffff  }
0x5f: {  	v8 =	vld [tilespmem:s10+$0xFFFFFFC0]  }
0x60: {  	v9 =	vld [tilespmem:s10+$0xFFFFFFD0]  }
0x61: {  	s16 =	sadd.s32 $0x80, s16;
	v10 =	vld [tilespmem:s10+$0xFFFFFFE0];
	v5 =	vmul.f32 v5, v14  }
0x62: {  	v11 =	vld [tilespmem:s10+$0x20];
	_ =	sdelay $0x2  }
0x63: {  	v6 =	vmul.f32 v8, v6;
	v3 =	vmul.f32 v9, v3  }
0x64: {  	v2 =	vmul.f32 v10, v2  }
0x65: {  	v4 =	vmul.f32 v7, v4;
	v3 =	vpack.i.f32.bf16 v3, v6;
	v1 =	vmul.f32 v11, v1  }
0x66: {  	[tilespmem:s11+$0xFFFFFFE0] =	vst v3;
	v2 =	vpack.i.f32.bf16 v5, v2  }
0x67: {  	[tilespmem:s11+$0xFFFFFFF0] =	vst v2;
	v1 =	vpack.i.f32.bf16 v4, v1  }
0x68: {  	[tilespmem:s11+$0x10] =	vst v1  }
0x69: {  	v1 =	vld [tilespmem:$0x19780]  }
0x6a: {  	v2 =	vld [tilespmem:$0x19790];
	_ =	sdelay $0x4  }
0x6b: {  	v3 =	vld [tilespmem:$0x1B780]  }
0x6c: {  	v4 =	vld [tilespmem:$0x1B790]  }
0x6d: {  	v1 =	vld.idx.msk [tilespmem:v1+s3+$0x0], $0xffff  }
0x6e: {  	v2 =	vld.idx.msk [tilespmem:v2+s3+$0x0], $0xffff;
	_ =	sdelay $0x3  }
0x6f: {  	s9 =	smul.u32 $0xFA0, s4  }
0x70: {  	v1 =	vmul.f32 v3, v1;
	v2 =	vmul.f32 v4, v2  }
0x71: {  	s17 =	sadd.s32 s7, s9  }
0x72: {  	p1 =	seq.s32 s4, $0x18;
	s10 =	sshrl.u32 s17, $0x3;
	v1 =	vpack.i.f32.bf16 v2, v1  }
0x73: {  	s10 =	sadd.s32 s6, s10;
	s11 =	smul.u32 @!p1 $0x1F40, s4;
	[tilespmem:$0x1CFC0] =	vst v1  }
0x74: {  	[hbm4b:s10+s3] =	stream.linear.scatter [tilespmem:s29], [sflag:$0x3], $0x7D0, $0x38;
	[tilespmem:$0x1D800] =	vst v63  }
0x75: {  	s10 =	sadd.s32 @!p1 s11, s12  }
0x76: {  	s10 =	sshrl.u32 @!p1 s10, $0x3  }
0x77: {  	s16 =	simm.s32 @!p1 $0x0;
	s17 =	simm.s32 @!p1 $0x18800;
	s11 =	sadd.s32 @!p1 s5, s10  }
0x78: {  	[tilespmem:s17], [sflag:$0x1] =	stream.linear.gather @!p1 [hbm4b:s11+s16], $0xFA0, $0x38;
	[tilespmem:$0x1D800] =	vst v63  }
0x79: {  	s10 =	sadd.s32 @!p1 s2, s10;
	s11 =	simm.s32 @!p1 $0x1A800  }
0x7a: {  	[tilespmem:s11], [sflag:$0x1] =	stream.linear.gather @!p1 [hbm4b:s10+s16], $0xFA0, $0x38;
	[tilespmem:$0x1D800] =	vst v63  }
0x7b: {  	_ =	swait.ge [sflag:s30], $0xFA0  }
0x7c: {  	[sflag:s30] =	ssyncset.done $0x0  }
0x7d: {  	[sflag:s30] =	ssyncadd.s32 $0xFFFFF060  }
0x7e: {  	_ =	swait.ge [sflag:s30], $0xFA0  }
0x7f: {  	[sflag:s30] =	ssyncset.done $0x0  }
0x80: {  	s10 =	simm.s32 @!p0 $0x4;
	[sflag:s30] =	ssyncadd.s32 $0xFFFFF060  }
0x81: {  	_ =	swait.ge @!p0 [sflag:s10], $0x7D0  }
0x82: {  	[sflag:s10] =	ssyncset.done @!p0 $0x0  }
0x83: {  	s18 =	simm.s32 $0x40;
	[sflag:s10] =	ssyncadd.s32 @!p0 $0xFFFFF830;
	s10 =	simm.s32 $0x19840  }
0x84: {  	s19 =	simm.s32 $0x20;
	s20 =	sor.u32 $0x50, s18;
	v1 =	vld [tilespmem:s10+$0x0]  }
0x85: {  	s22 =	simm.s32 $0x60;
	s16 =	sor.u32 $0x30, s19;
	v2 =	vld [tilespmem:s20+$0x19800]  }
0x86: {  	s18 =	sor.u32 $0x70, s22;
	v3 =	vld [tilespmem:s16+$0x19800]  }
0x87: {  	v4 =	vld [tilespmem:s18+$0x19800]  }
0x88: {  	v5 =	vld [tilespmem:s10+$0xFFFFFFD0]  }
0x89: {  	v6 =	vld [tilespmem:s10+$0xFFFFFFE0]  }
0x8a: {  	s11 =	simm.s32 $0x1B840;
	v7 =	vld [tilespmem:s10+$0x20]  }
0x8b: {  	v8 =	vld [tilespmem:s11+$0x0]  }
0x8c: {  	v11 =	vld [tilespmem:s20+$0x1B800]  }
0x8d: {  	v12 =	vld [tilespmem:s10+$0xFFFFFFC0]  }
0x8e: {  	v9 =	vld.idx.msk [tilespmem:v1+s3+$0x0], $0xffff  }
0x8f: {  	v10 =	vld.idx.msk [tilespmem:v2+s3+$0x0], $0xffff  }
0x90: {  	v13 =	vld.idx.msk [tilespmem:v3+s3+$0x0], $0xffff  }
0x91: {  	v4 =	vld.idx.msk [tilespmem:v4+s3+$0x0], $0xffff  }
0x92: {  	v3 =	vld.idx.msk [tilespmem:v5+s3+$0x0], $0xffff  }
0x93: {  	v2 =	vld.idx.msk [tilespmem:v6+s3+$0x0], $0xffff  }
0x94: {  	v1 =	vld.idx.msk [tilespmem:v7+s3+$0x0], $0xffff  }
0x95: {  	v5 =	vld [tilespmem:s16+$0x1B800]  }
0x96: {  	v7 =	vld [tilespmem:s18+$0x1B800]  }
0x97: {  	v6 =	vld.idx.msk [tilespmem:v12+s3+$0x0], $0xffff;
	v9 =	vmul.f32 v8, v9;
	v10 =	vmul.f32 v11, v10  }
0x98: {  	v8 =	vld [tilespmem:s11+$0xFFFFFFC0]  }
0x99: {  	s22 =	simm.s32 $0x1D020;
	v10 =	vpack.i.f32.bf16 v10, v9;
	v9 =	vld [tilespmem:s11+$0xFFFFFFD0]  }
0x9a: {  	s17 =	simm.s32 $0xE0;
	s16 =	simm.s32 $0x0;
	v5 =	vmul.f32 v5, v13;
	[tilespmem:s22+$0x0] =	vst v10;
	v10 =	vld [tilespmem:s11+$0xFFFFFFE0]  }
.LBB2_5:
0x9b: {  	s18 =	sadd.s32 $0xFFFFFFE0, s17;
	s16 =	sadd.s32 $0x4, s16;
	v11 =	vld [tilespmem:s11+$0x20];
	v4 =	vmul.f32 v7, v4;
	s10 =	sadd.s32 $0x80, s10  }
0x9c: {  	s19 =	sadd.s32 $0xFFFFFFC0, s17;
	v7 =	vld [tilespmem:s10+$0x0];
	s18 =	sor.u32 $0x50, s18;
	p0 =	slt.u32 s16, $0x78  }
0x9d: {  	s20 =	sor.u32 $0x70, s17;
	s19 =	sor.u32 $0x30, s19;
	v12 =	vld [tilespmem:s18+$0x19800];
	v6 =	vmul.f32 v8, v6  }
0x9e: {  	v8 =	vld [tilespmem:s19+$0x19800];
	v3 =	vmul.f32 v9, v3  }
0x9f: {  	v9 =	vld [tilespmem:s20+$0x19800];
	v2 =	vmul.f32 v10, v2  }
0xa0: {  	v10 =	vld [tilespmem:s10+$0xFFFFFFD0];
	v3 =	vpack.i.f32.bf16 v3, v6;
	v1 =	vmul.f32 v11, v1  }
0xa1: {  	v6 =	vld [tilespmem:s10+$0xFFFFFFE0];
	[tilespmem:s22+$0xFFFFFFE0] =	vst v3;
	v2 =	vpack.i.f32.bf16 v5, v2  }
0xa2: {  	s11 =	sadd.s32 $0x80, s11;
	v5 =	vld [tilespmem:s10+$0x20];
	[tilespmem:s22+$0xFFFFFFF0] =	vst v2;
	v1 =	vpack.i.f32.bf16 v4, v1  }
0xa3: {  	v11 =	vld [tilespmem:s11+$0x0];
	[tilespmem:s22+$0x10] =	vst v1  }
0xa4: {  	v1 =	vld.idx.msk [tilespmem:v7+s3+$0x0], $0xffff  }
0xa5: {  	v7 =	vld.idx.msk [tilespmem:v12+s3+$0x0], $0xffff  }
0xa6: {  	v12 =	vld [tilespmem:s18+$0x1B800]  }
0xa7: {  	v13 =	vld [tilespmem:s10+$0xFFFFFFC0]  }
0xa8: {  	v14 =	vld.idx.msk [tilespmem:v8+s3+$0x0], $0xffff  }
0xa9: {  	v4 =	vld.idx.msk [tilespmem:v9+s3+$0x0], $0xffff  }
0xaa: {  	v3 =	vld.idx.msk [tilespmem:v10+s3+$0x0], $0xffff  }
0xab: {  	v2 =	vld.idx.msk [tilespmem:v6+s3+$0x0], $0xffff;
	v6 =	vmul.f32 v11, v1;
	v7 =	vmul.f32 v12, v7  }
0xac: {  	v1 =	vld.idx.msk [tilespmem:v5+s3+$0x0], $0xffff  }
0xad: {  	s22 =	sadd.s32 $0x40, s22;
	v5 =	vld [tilespmem:s19+$0x1B800];
	v6 =	vpack.i.f32.bf16 v7, v6  }
.Ltmp3:
0xae: {  	[tilespmem:s22+$0x0] =	vst v6;
	v7 =	vld [tilespmem:s20+$0x1B800];
	(pc) =	sbr.rel @p0 .LBB2_5-.Ltmp3, $4  }
0xaf: {  	v6 =	vld.idx.msk [tilespmem:v13+s3+$0x0], $0xffff  }
0xb0: {  	v8 =	vld [tilespmem:s11+$0xFFFFFFC0]  }
0xb1: {  	v9 =	vld [tilespmem:s11+$0xFFFFFFD0]  }
0xb2: {  	s17 =	sadd.s32 $0x80, s17;
	v10 =	vld [tilespmem:s11+$0xFFFFFFE0];
	v5 =	vmul.f32 v5, v14  }
0xb3: {  	v11 =	vld [tilespmem:s11+$0x20];
	_ =	sdelay $0x2  }
0xb4: {  	v6 =	vmul.f32 v8, v6;
	v3 =	vmul.f32 v9, v3  }
0xb5: {  	v2 =	vmul.f32 v10, v2  }
0xb6: {  	v4 =	vmul.f32 v7, v4;
	v3 =	vpack.i.f32.bf16 v3, v6;
	v1 =	vmul.f32 v11, v1  }
0xb7: {  	[tilespmem:s22+$0xFFFFFFE0] =	vst v3;
	v2 =	vpack.i.f32.bf16 v5, v2  }
0xb8: {  	[tilespmem:s22+$0xFFFFFFF0] =	vst v2;
	v1 =	vpack.i.f32.bf16 v4, v1  }
0xb9: {  	[tilespmem:s22+$0x10] =	vst v1  }
0xba: {  	v1 =	vld [tilespmem:$0x1A780]  }
0xbb: {  	v2 =	vld [tilespmem:$0x1A790];
	_ =	sdelay $0x4  }
0xbc: {  	v3 =	vld [tilespmem:$0x1C780]  }
0xbd: {  	v63 =	vld [tilespmem:$0x1C790]  }
0xbe: {  	v1 =	vld.idx.msk [tilespmem:v1+s3+$0x0], $0xffff  }
0xbf: {  	v2 =	vld.idx.msk [tilespmem:v2+s3+$0x0], $0xffff;
	_ =	sdelay $0x4  }
.Ltmp4:
0xc0: {  	v1 =	vmul.f32 v3, v1;
	v2 =	vmul.f32 v63, v2;
	(pc) =	sbr.rel @p1 .LBB2_8-.Ltmp4, $4  }
0xc1: {  	s9 =	sadd.s32 s9, s13  }
0xc2: {  	s9 =	sshrl.u32 s9, $0x3;
	v1 =	vpack.i.f32.bf16 v2, v1  }
0xc3: {  	s9 =	sadd.s32 s6, s9;
	[tilespmem:$0x1D7C0] =	vst v1  }
0xc4: {  	[hbm4b:s9+s3] =	stream.linear.scatter [tilespmem:s31], [sflag:$0x4], $0x7D0, $0x38;
	[tilespmem:$0x1D800] =	vst v63  }
0xc5: {  	s9 =	smul.u32 $0x1F40, s4;
	_ =	sdelay $0x1  }
0xc6: {  	s9 =	sadd.s32 s9, s15  }
.Ltmp5:
0xc7: {  	s9 =	sshrl.u32 s9, $0x3;
	(pc) =	sbr.rel .LBB2_2-.Ltmp5, $4  }
0xc8: {  	s10 =	sadd.s32 s5, s9  }
0xc9: {  	[tilespmem:s24], [sflag:$0x2] =	stream.linear.gather [hbm4b:s10+s3], $0xFA0, $0x38;
	[tilespmem:$0x1D800] =	vst v63  }
0xca: {  	s4 =	sadd.s32 $0x1, s4;
	s9 =	sadd.s32 s2, s9  }
0xcb: {  	[tilespmem:s25], [sflag:$0x2] =	stream.linear.gather [hbm4b:s9+s3], $0xFA0, $0x38;
	[tilespmem:$0x1D800] =	vst v63  }
.LBB2_8:
0xcc: {  	_ =	swait.ge [sflag:s1], $0x7D0  }
0xcd: {  	[sflag:s1] =	ssyncset.done $0x0  }
0xce: {  	[sflag:s1] =	ssyncadd.s32 $0xFFFFF830  }
0xcf: {  	_ =	swait.ge [sflag:s0], $0x7D0  }
0xd0: {  	[sflag:s0] =	ssyncset.done $0x0  }
0xd1: {  	s20 =	simm.s32 $0x18800;
	s4 =	rddreg [dreg:$0x7];
	[sflag:s0] =	ssyncadd.s32 $0xFFFFF830  }
0xd2: {  	[tilespmem:s20], [sflag:$0x1] =	stream.linear.gather [hbm4b:s4+s3], $0xFA0, $0x38;
	[tilespmem:$0x1D800] =	vst v63  }
0xd3: {  	s18 =	rddreg [dreg:$0x8]  }
0xd4: {  	[tilespmem:s29], [sflag:$0x1] =	stream.linear.gather [hbm4b:s18+s3], $0x7D0, $0x38;
	[tilespmem:$0x1D800] =	vst v63  }
0xd5: {  	s19 =	rddreg [dreg:$0x9]  }
0xd6: {  	[tilespmem:s24], [sflag:$0x2] =	stream.linear.gather [hbm4b:s19+s3], $0xFA0, $0x38;
	[tilespmem:$0x1D800] =	vst v63  }
0xd7: {  	s22 =	rddreg [dreg:$0xa];
	s4 =	simm.s32 $0x40  }
0xd8: {  	[tilespmem:s31], [sflag:$0x2] =	stream.linear.gather [hbm4b:s22+s3], $0x7D0, $0x38;
	[tilespmem:$0x1D800] =	vst v63  }
0xd9: {  	[tilespmem:s4+$0xFFFFFFC0] =	vst v0  }
0xda: {  	[tilespmem:s4+$0x30] =	vst v0  }
0xdb: {  	[tilespmem:s4+$0x20] =	vst v0  }
0xdc: {  	[tilespmem:s4+$0x10] =	vst v0  }
0xdd: {  	[tilespmem:s4+$0x0] =	vst v0  }
0xde: {  	[tilespmem:s4+$0xFFFFFFF0] =	vst v0  }
0xdf: {  	s9 =	simm.s32 $0x0;
	[tilespmem:s4+$0xFFFFFFE0] =	vst v0  }
.LBB2_9:
0xe0: {  	s9 =	sadd.s32 $0x8, s9;
	[tilespmem:s4+$0xFFFFFFD0] =	vst v0;
	s4 =	sadd.s32 $0x80, s4  }
0xe1: {  	[tilespmem:s4+$0xFFFFFFC0] =	vst v0;
	p0 =	slt.u32 s9, $0x1878  }
0xe2: {  	[tilespmem:s4+$0x30] =	vst v0  }
.Ltmp6:
0xe3: {  	[tilespmem:s4+$0x20] =	vst v0;
	(pc) =	sbr.rel @p0 .LBB2_9-.Ltmp6, $4  }
0xe4: {  	[tilespmem:s4+$0x10] =	vst v0  }
0xe5: {  	[tilespmem:s4+$0x0] =	vst v0  }
0xe6: {  	[tilespmem:s4+$0xFFFFFFF0] =	vst v0  }
0xe7: {  	[tilespmem:s4+$0xFFFFFFE0] =	vst v0  }
0xe8: {  	[tilespmem:s4+$0xFFFFFFD0] =	vst v0;
	s4 =	simm.s32 $0x0  }
.LBB2_11:
0xe9: {  	_ =	swait.ge [sflag:s28], $0xFA0  }
0xea: {  	[sflag:s28] =	ssyncset.done $0x0  }
0xeb: {  	[sflag:s28] =	ssyncadd.s32 $0xFFFFF060  }
0xec: {  	_ =	swait.ge [sflag:s28], $0x7D0  }
0xed: {  	[sflag:s28] =	ssyncset.done $0x0  }
0xee: {  	s9 =	simm.s32 $0x18840;
	s10 =	simm.s32 $0x40;
	[sflag:s28] =	ssyncadd.s32 $0xFFFFF830  }
0xef: {  	s11 =	sor.u32 $0x50, s10;
	v3 =	vld [tilespmem:s9+$0x0]  }
0xf0: {  	s10 =	simm.s32 $0x1C820;
	v4 =	vld [tilespmem:s11+$0x18800]  }
0xf1: {  	v5 =	vld [tilespmem:s10+$0x0]  }
0xf2: {  	v6 =	vld [tilespmem:s10+$0xFFFFFFF0]  }
0xf3: {  	v10 =	vld [tilespmem:s10+$0x10]  }
0xf4: {  	v11 =	vld [tilespmem:s10+$0xFFFFFFE0]  }
0xf5: {  	s16 =	simm.s32 $0x60;
	v12 =	vld [tilespmem:s9+$0xFFFFFFC0]  }
0xf6: {  	s16 =	sor.u32 $0x70, s16;
	v9 =	vld [tilespmem:s9+$0xFFFFFFD0]  }
0xf7: {  	s22 =	simm.s32 $0x20;
	v2 =	vld [tilespmem:s16+$0x18800]  }
0xf8: {  	s11 =	sor.u32 $0x30, s22;
	v8 =	vld [tilespmem:s9+$0xFFFFFFE0]  }
0xf9: {  	v1 =	vld [tilespmem:s11+$0x18800];
	v7 =	vunpack.i.l.bf16.f32 v5  }
0xfa: {  	[tilespmem:v3+s3+$0x0] =	vst.idx.add.f32.msk $0xffff, v7  }
0xfb: {  	v5 =	vunpack.i.u.bf16.f32 v5;
	v7 =	vld [tilespmem:s9+$0x20]  }
0xfc: {  	v13 =	vunpack.i.l.bf16.f32 v11;
	v3 =	vunpack.i.u.bf16.f32 v6;
	[tilespmem:v4+s3+$0x0] =	vst.idx.add.f32.msk $0xffff, v5;
	v4 =	vunpack.i.l.bf16.f32 v6  }
0xfd: {  	s16 =	simm.s32 $0xE0;
	s11 =	simm.s32 $0x0;
	[tilespmem:v12+s3+$0x0] =	vst.idx.add.f32.msk $0xffff, v13;
	v5 =	vunpack.i.u.bf16.f32 v10;
	v6 =	vunpack.i.l.bf16.f32 v10;
	v10 =	vunpack.i.u.bf16.f32 v11  }
.LBB2_12:
0xfe: {  	s17 =	sadd.s32 $0xFFFFFFE0, s16;
	s11 =	sadd.s32 $0x4, s11;
	[tilespmem:v9+s3+$0x0] =	vst.idx.add.f32.msk $0xffff, v10;
	s9 =	sadd.s32 $0x80, s9  }
0xff: {  	s18 =	sadd.s32 $0xFFFFFFC0, s16;
	v9 =	vld [tilespmem:s9+$0x0];
	s17 =	sor.u32 $0x50, s17;
	p0 =	slt.u32 s11, $0x78  }
0x100: {  	s10 =	sadd.s32 $0x40, s10;
	s18 =	sor.u32 $0x30, s18;
	v10 =	vld [tilespmem:s17+$0x18800];
	s17 =	sor.u32 $0x70, s16  }
0x101: {  	v11 =	vld [tilespmem:s10+$0x0]  }
0x102: {  	v12 =	vld [tilespmem:s10+$0xFFFFFFF0]  }
0x103: {  	v13 =	vld [tilespmem:s10+$0x10]  }
0x104: {  	v14 =	vld [tilespmem:s10+$0xFFFFFFE0]  }
0x105: {  	v15 =	vld [tilespmem:s18+$0x18800]  }
0x106: {  	v16 =	vunpack.i.l.bf16.f32 v11;
	v17 =	vld [tilespmem:s17+$0x18800]  }
0x107: {  	v11 =	vunpack.i.u.bf16.f32 v11;
	v18 =	vunpack.i.u.bf16.f32 v12;
	v12 =	vunpack.i.l.bf16.f32 v12;
	[tilespmem:v9+s3+$0x0] =	vst.idx.add.f32.msk $0xffff, v16  }
0x108: {  	[tilespmem:v10+s3+$0x0] =	vst.idx.add.f32.msk $0xffff, v11;
	v11 =	vunpack.i.u.bf16.f32 v13;
	v13 =	vunpack.i.l.bf16.f32 v13  }
0x109: {  	v10 =	vunpack.i.u.bf16.f32 v14;
	v14 =	vunpack.i.l.bf16.f32 v14;
	v16 =	vld [tilespmem:s9+$0xFFFFFFC0]  }
0x10a: {  	v9 =	vld [tilespmem:s9+$0xFFFFFFD0]  }
0x10b: {  	v19 =	vld [tilespmem:s9+$0xFFFFFFE0]  }
0x10c: {  	v20 =	vld [tilespmem:s9+$0x20]  }
.Ltmp7:
0x10d: {  	[tilespmem:v8+s3+$0x0] =	vst.idx.add.f32.msk $0xffff, v4;
	v4 =	vmov v12;
	(pc) =	sbr.rel @p0 .LBB2_12-.Ltmp7, $4  }
0x10e: {  	[tilespmem:v1+s3+$0x0] =	vst.idx.add.f32.msk $0xffff, v3;
	v1 =	vmov v15;
	v3 =	vmov v18  }
0x10f: {  	[tilespmem:v7+s3+$0x0] =	vst.idx.add.f32.msk $0xffff, v6;
	v6 =	vmov v13  }
0x110: {  	[tilespmem:v2+s3+$0x0] =	vst.idx.add.f32.msk $0xffff, v5;
	v2 =	vmov v17;
	v5 =	vmov v11;
	v8 =	vmov v19  }
0x111: {  	s16 =	sadd.s32 $0x80, s16;
	[tilespmem:v16+s3+$0x0] =	vst.idx.add.f32.msk $0xffff, v14;
	v7 =	vmov v20  }
0x112: {  	_ =	sdelay $0x3  }
0x113: {  	[tilespmem:v9+s3+$0x0] =	vst.idx.add.f32.msk $0xffff, v10  }
0x114: {  	[tilespmem:v8+s3+$0x0] =	vst.idx.add.f32.msk $0xffff, v4  }
0x115: {  	[tilespmem:v7+s3+$0x0] =	vst.idx.add.f32.msk $0xffff, v6  }
0x116: {  	[tilespmem:v1+s3+$0x0] =	vst.idx.add.f32.msk $0xffff, v3  }
0x117: {  	[tilespmem:v2+s3+$0x0] =	vst.idx.add.f32.msk $0xffff, v5  }
0x118: {  	v1 =	vld [tilespmem:$0x19780]  }
0x119: {  	v2 =	vld [tilespmem:$0x19790]  }
0x11a: {  	v3 =	vld [tilespmem:$0x1CFC0]  }
0x11b: {  	s9 =	sshll.u32 s4, $0x1;
	p0 =	seq.s32 s4, $0x18  }
0x11c: {  	s10 =	sadd.s32 @!p0 $0x2, s9  }
0x11d: {  	s11 =	smul.u32 @!p0 $0xFA0, s10  }
0x11e: {  	s10 =	smul.u32 @!p0 $0x7D0, s10  }
0x11f: {  	s11 =	sadd.s32 @!p0 s11, s14;
	v4 =	vunpack.i.l.bf16.f32 v3  }
0x120: {  	s16 =	simm.s32 @!p0 $0x0;
	s10 =	sadd.s32 @!p0 s7, s10;
	s11 =	sshrl.u32 @!p0 s11, $0x3;
	v3 =	vunpack.i.u.bf16.f32 v3;
	[tilespmem:v1+s3+$0x0] =	vst.idx.add.f32.msk $0xffff, v4  }
0x121: {  	s17 =	simm.s32 @!p0 $0x18800;
	s10 =	sshrl.u32 @!p0 s10, $0x3;
	s11 =	sadd.s32 @!p0 s5, s11;
	[tilespmem:v2+s3+$0x0] =	vst.idx.add.f32.msk $0xffff, v3  }
0x122: {  	[tilespmem:s17], [sflag:$0x1] =	stream.linear.gather @!p0 [hbm4b:s11+s16], $0xFA0, $0x38;
	[tilespmem:$0x1D800] =	vst v63  }
0x123: {  	s10 =	sadd.s32 @!p0 s6, s10;
	s11 =	simm.s32 @!p0 $0x1C800  }
0x124: {  	[tilespmem:s11], [sflag:$0x1] =	stream.linear.gather @!p0 [hbm4b:s10+s16], $0x7D0, $0x38;
	[tilespmem:$0x1D800] =	vst v63  }
0x125: {  	_ =	swait.ge [sflag:s30], $0xFA0  }
0x126: {  	[sflag:s30] =	ssyncset.done $0x0  }
0x127: {  	[sflag:s30] =	ssyncadd.s32 $0xFFFFF060  }
0x128: {  	_ =	swait.ge [sflag:s30], $0x7D0  }
0x129: {  	[sflag:s30] =	ssyncset.done $0x0  }
0x12a: {  	s17 =	simm.s32 $0x40;
	s10 =	simm.s32 $0x19840;
	[sflag:s30] =	ssyncadd.s32 $0xFFFFF830  }
0x12b: {  	s18 =	sor.u32 $0x50, s17;
	v3 =	vld [tilespmem:s10+$0x0]  }
0x12c: {  	s11 =	simm.s32 $0x1D020;
	v4 =	vld [tilespmem:s18+$0x19800]  }
0x12d: {  	v5 =	vld [tilespmem:s11+$0x0]  }
0x12e: {  	v6 =	vld [tilespmem:s11+$0xFFFFFFF0]  }
0x12f: {  	v10 =	vld [tilespmem:s11+$0x10]  }
0x130: {  	v11 =	vld [tilespmem:s11+$0xFFFFFFE0]  }
0x131: {  	s19 =	simm.s32 $0x20;
	v12 =	vld [tilespmem:s10+$0xFFFFFFC0]  }
0x132: {  	s22 =	simm.s32 $0x60;
	s16 =	sor.u32 $0x30, s19;
	v9 =	vld [tilespmem:s10+$0xFFFFFFD0]  }
0x133: {  	s17 =	sor.u32 $0x70, s22;
	v1 =	vld [tilespmem:s16+$0x19800]  }
0x134: {  	v2 =	vld [tilespmem:s17+$0x19800]  }
0x135: {  	v8 =	vld [tilespmem:s10+$0xFFFFFFE0];
	v7 =	vunpack.i.l.bf16.f32 v5  }
0x136: {  	[tilespmem:v3+s3+$0x0] =	vst.idx.add.f32.msk $0xffff, v7  }
0x137: {  	v5 =	vunpack.i.u.bf16.f32 v5;
	v7 =	vld [tilespmem:s10+$0x20]  }
0x138: {  	v13 =	vunpack.i.l.bf16.f32 v11;
	v3 =	vunpack.i.u.bf16.f32 v6;
	[tilespmem:v4+s3+$0x0] =	vst.idx.add.f32.msk $0xffff, v5;
	v4 =	vunpack.i.l.bf16.f32 v6  }
0x139: {  	s16 =	simm.s32 $0x0;
	s17 =	simm.s32 $0xE0;
	[tilespmem:v12+s3+$0x0] =	vst.idx.add.f32.msk $0xffff, v13;
	v5 =	vunpack.i.u.bf16.f32 v10;
	v6 =	vunpack.i.l.bf16.f32 v10;
	v10 =	vunpack.i.u.bf16.f32 v11  }
.LBB2_14:
0x13a: {  	s18 =	sadd.s32 $0xFFFFFFE0, s17;
	s16 =	sadd.s32 $0x4, s16;
	[tilespmem:v9+s3+$0x0] =	vst.idx.add.f32.msk $0xffff, v10;
	s10 =	sadd.s32 $0x80, s10  }
0x13b: {  	s19 =	sadd.s32 $0xFFFFFFC0, s17;
	v9 =	vld [tilespmem:s10+$0x0];
	s18 =	sor.u32 $0x50, s18;
	p1 =	slt.u32 s16, $0x78  }
0x13c: {  	s11 =	sadd.s32 $0x40, s11;
	s19 =	sor.u32 $0x30, s19;
	v10 =	vld [tilespmem:s18+$0x19800];
	s18 =	sor.u32 $0x70, s17  }
0x13d: {  	v11 =	vld [tilespmem:s11+$0x0]  }
0x13e: {  	v12 =	vld [tilespmem:s11+$0xFFFFFFF0]  }
0x13f: {  	v13 =	vld [tilespmem:s11+$0x10]  }
0x140: {  	v14 =	vld [tilespmem:s11+$0xFFFFFFE0]  }
0x141: {  	v15 =	vld [tilespmem:s19+$0x19800]  }
0x142: {  	v16 =	vunpack.i.l.bf16.f32 v11;
	v17 =	vld [tilespmem:s18+$0x19800]  }
0x143: {  	v11 =	vunpack.i.u.bf16.f32 v11;
	v18 =	vunpack.i.u.bf16.f32 v12;
	v12 =	vunpack.i.l.bf16.f32 v12;
	[tilespmem:v9+s3+$0x0] =	vst.idx.add.f32.msk $0xffff, v16  }
0x144: {  	[tilespmem:v10+s3+$0x0] =	vst.idx.add.f32.msk $0xffff, v11;
	v11 =	vunpack.i.u.bf16.f32 v13;
	v13 =	vunpack.i.l.bf16.f32 v13  }
0x145: {  	v10 =	vunpack.i.u.bf16.f32 v14;
	v14 =	vunpack.i.l.bf16.f32 v14;
	v16 =	vld [tilespmem:s10+$0xFFFFFFC0]  }
0x146: {  	v9 =	vld [tilespmem:s10+$0xFFFFFFD0]  }
0x147: {  	v19 =	vld [tilespmem:s10+$0xFFFFFFE0]  }
0x148: {  	v20 =	vld [tilespmem:s10+$0x20]  }
.Ltmp8:
0x149: {  	[tilespmem:v8+s3+$0x0] =	vst.idx.add.f32.msk $0xffff, v4;
	v4 =	vmov v12;
	(pc) =	sbr.rel @p1 .LBB2_14-.Ltmp8, $4  }
0x14a: {  	[tilespmem:v1+s3+$0x0] =	vst.idx.add.f32.msk $0xffff, v3;
	v1 =	vmov v15;
	v3 =	vmov v18  }
0x14b: {  	[tilespmem:v7+s3+$0x0] =	vst.idx.add.f32.msk $0xffff, v6;
	v6 =	vmov v13  }
0x14c: {  	[tilespmem:v2+s3+$0x0] =	vst.idx.add.f32.msk $0xffff, v5;
	v2 =	vmov v17;
	v5 =	vmov v11;
	v8 =	vmov v19  }
0x14d: {  	s17 =	sadd.s32 $0x80, s17;
	[tilespmem:v16+s3+$0x0] =	vst.idx.add.f32.msk $0xffff, v14;
	v7 =	vmov v20  }
0x14e: {  	_ =	sdelay $0x3  }
0x14f: {  	[tilespmem:v9+s3+$0x0] =	vst.idx.add.f32.msk $0xffff, v10  }
0x150: {  	[tilespmem:v8+s3+$0x0] =	vst.idx.add.f32.msk $0xffff, v4  }
0x151: {  	[tilespmem:v7+s3+$0x0] =	vst.idx.add.f32.msk $0xffff, v6  }
0x152: {  	[tilespmem:v1+s3+$0x0] =	vst.idx.add.f32.msk $0xffff, v3  }
0x153: {  	[tilespmem:v2+s3+$0x0] =	vst.idx.add.f32.msk $0xffff, v5  }
0x154: {  	v1 =	vld [tilespmem:$0x1A780]  }
0x155: {  	v2 =	vld [tilespmem:$0x1A790]  }
0x156: {  	v3 =	vld [tilespmem:$0x1D7C0];
	_ =	sdelay $0x2  }
.Ltmp9:
0x157: {  	_ = 	snop;
	(pc) =	sbr.rel @p0 .LBB2_17-.Ltmp9, $4  }
0x158: {  	_ = 	snop  }
0x159: {  	v63 =	vunpack.i.l.bf16.f32 v3  }
0x15a: {  	v3 =	vunpack.i.u.bf16.f32 v3;
	[tilespmem:v1+s3+$0x0] =	vst.idx.add.f32.msk $0xffff, v63  }
0x15b: {  	[tilespmem:v2+s3+$0x0] =	vst.idx.add.f32.msk $0xffff, v3  }
0x15c: {  	s9 =	sadd.s32 $0x3, s9  }
0x15d: {  	s10 =	smul.u32 $0xFA0, s9  }
0x15e: {  	s9 =	smul.u32 $0x7D0, s9  }
0x15f: {  	s10 =	sadd.s32 s10, s14  }
.Ltmp10:
0x160: {  	s9 =	sadd.s32 s7, s9;
	s10 =	sshrl.u32 s10, $0x3;
	(pc) =	sbr.rel .LBB2_11-.Ltmp10, $4  }
0x161: {  	s9 =	sshrl.u32 s9, $0x3;
	s10 =	sadd.s32 s5, s10  }
0x162: {  	[tilespmem:s24], [sflag:$0x2] =	stream.linear.gather [hbm4b:s10+s3], $0xFA0, $0x38;
	[tilespmem:$0x1D800] =	vst v63  }
0x163: {  	s4 =	sadd.s32 $0x1, s4;
	s9 =	sadd.s32 s6, s9  }
0x164: {  	[tilespmem:s31], [sflag:$0x2] =	stream.linear.gather [hbm4b:s9+s3], $0x7D0, $0x38;
	[tilespmem:$0x1D800] =	vst v63  }
.LBB2_18:
0x165: {  	_ =	sfence.sel $0x180000  }
0x166: {  	[bflag:$0x0] =	sbarrier.arrive $0xFFFF  }
0x167: {  	_ =	strace $0x9000004A  }
0x168: {  	s0 =	stileid.u32;
	[bflag:$0x2] =	sbarrier.arrive $0xFFFF  }
0x169: {  	p0 =	sne.s32 s0, $0x0;
	s0 =	rddreg [dreg:$0x2]  }
0x16a: {  	s0 =	sadd.s32 @!p0 $0x100000, s0  }
0x16b: {  	[sflag:s0] =	ssyncadd.tile.s32 @!p0 $0x1;
	_ =	shalt  }
.Lfunc_end2:
_tile_overlayer_lowered:
.L_overlay_start_2:
0x16c: {  	(tag) =	ssettag $0x2  }
0x16d: {  	s0 =	rddreg [dreg:$0x0];
	s2 =	stileid.u32  }
0x16e: {  	s1 =	rddreg [dreg:$0x1];
	p0 =	sne.s32 s2, $0x0  }
0x16f: {  	s3 =	rddreg [dreg:$0x2];
	[bflag:$0x3] =	sbarrier.arrive $0xFFFF;
	s2 =	simm.s32 @!p0 $0x1C05  }
0x170: {  	[timem:s3], [sflag:s2] =	dma.local @!p0 [hbm:s0], s1  }
0x171: {  	s0 =	simm.s32 @!p0 $0x5  }
0x172: {  	_ =	swait.ge @!p0 [sflag:s0], s1  }
0x173: {  	s1 =	ssub.s32 @!p0 $0x0, s1;
	[sflag:s0] =	ssyncset.done @!p0 $0x0  }
0x174: {  	[sflag:s0] =	ssyncadd.s32 @!p0 s1  }
0x175: {  	[bflag:$0x3] =	sbarrier.arrive $0xFFFF  }
0x176: {  	_ =	shalt  }

// kernel: sparse-core-data-format-call.cloned.1.call-start
scs
called_computation_lowered:
.L_overlay_start_0:
0x0: {  	s2 =	sld [smem:$0x3FD9]  }
0x1: {  	s3 =	sld [smem:$0x3FFE];
	_ =	sdelay $0x1  }
0x2: {  	s1 =	srdreg.scid  }
0x3: {  	s0 =	sand.u32 $0x1, s1  }
0x4: {  	s18 =	sshll.u32 s0, $0xA;
	s2 =	sadd.s32 s3, s2  }
0x5: {  	s2 =	sadd.s32 s2, s18  }
0x6: {  	[smem:$0x3FB6] =	sst s2  }
0x7: {  	_ = 	snop  }
0x8: {  	s2 =	sld [smem:$0x3FC4];
	(tm) =	ssettm $0x1  }
0x9: {  	s19 =	sld [smem:$0x3FFB];
	_ =	sdelay $0x3  }
0xa: {  	_ =	strace s19  }
0xb: {  	s3 =	sld [smem:$0x3FFC];
	_ =	sdelay $0x3  }
0xc: {  	_ =	strace s3  }
0xd: {  	s3 =	sld [smem:$0x3FFD];
	_ =	sdelay $0x3  }
0xe: {  	_ =	strace s3  }
0xf: {  	_ =	strace $0x8FFFFFFF  }
0x10: {  	s20 =	sld [smem:$0x3FDB];
	_ =	sdelay $0x1  }
0x11: {  	s4 =	simm.s32 $_scs_section_size  }
0x12: {  	s5 =	simm.s32 $_size__tile_overlayer_lowered;
	s6 =	simm.s32 $_tile_overlayer_lowered  }
0x13: {  	s23 =	simm.s32 $0x1BFF;
	s22 =	sshll.u32 s6, $0x1;
	s3 =	sadd.s32 s4, s20  }
0x14: {  	s7 =	simm.s32 $0x0;
	s21 =	sshll.u32 s5, $0x1;
	s5 =	sadd.s32 s22, s3  }
0x15: {  	[timem:s7], [sflag:s23] =	dma.local [hbm:s5], s21  }
0x16: {  	_ =	swait.ge [sflag:s23], s21  }
0x17: {  	s4 =	ssub.s32 $0x0, s21;
	[sflag:s23] =	ssyncset.done $0x0  }
0x18: {  	[sflag:s23] =	ssyncadd.s32 s4;
	_ =	sdelay $0x1  }
0x19: {  	s24 =	simm.s32 $0x1B8B  }
0x1a: {  	_ =	swait.ge [sflag:s24], $0x1  }
0x1b: {  	[sflag:s24] =	ssyncset.done $0x0  }
0x1c: {  	s26 =	simm.s32 $0x1B8E;
	s25 =	sld [smem:$0x3FFE];
	[sflag:s24] =	ssyncadd.s32 $0xFFFFFFFF  }
0x1d: {  	s27 =	simm.s32 $execute0_lowered;
	[smem:$0x3FD2] =	sst s26  }
0x1e: {  	s5 =	sshll.u32 s27, $0x1;
	_ =	strace $0x80000046;
	[dreg:$0x1] =	wrdreg $0xFFFFFFFF  }
0x1f: {  	s28 =	simm.s32 $_size_execute0_lowered;
	s3 =	sadd.s32 s3, s5;
	[dreg:$0x0] =	wrdreg $0x0  }
0x20: {  	s5 =	sshll.u32 s28, $0x1;
	[dreg:$0x2] =	wrdreg s3  }
0x21: {  	[dreg:$0x3] =	wrdreg s5  }
0x22: {  	[dreg:$0x4] =	wrdreg $0xC0  }
0x23: {  	_ =	task [dreg:s7], $0x5FFFF  }
0x24: {  	[dreg:$0x1] =	wrdreg $0xFFFFFFFF  }
0x25: {  	[dreg:$0x0] =	wrdreg $0x60  }
0x26: {  	[dreg:$0x2] =	wrdreg s2  }
0x27: {  	[dreg:$0x3] =	wrdreg s25  }
0x28: {  	[dreg:$0x4] =	wrdreg $0x9  }
0x29: {  	_ =	task.clear_ibuf [dreg:s7], $0x5FFFF;
	_ =	strace $0x90000046  }
0x2a: {  	s29 =	simm.s32 $0x9;
	_ =	strace $0x80000048  }
0x2b: {  	_ =	swait.ge [sflag:s29], $0x1  }
0x2c: {  	[sflag:s29] =	ssyncadd.s32 $0xFFFFFFFF  }
0x2d: {  	_ =	strace $0x90000048  }
0x2e: {  	_ =	sfence  }
0x2f: {  	s30 =	sld [smem:$0x0];
	_ =	sdelay $0x2  }
0x30: {  	s31 =	sshll.u32 s1, $0xD;
	s1 =	sshrl.u32 s1, $0x2  }
0x31: {  	s3 =	sand.u32 $0x4000, s31;
	s1 =	sadd.s32 s1, s30  }
0x32: {  	s0 =	sor.u32 s3, s0;
	s1 =	sshll.u32 s1, $0x11  }
0x33: {  	s0 =	sor.u32 s1, s0  }
0x34: {  	s0 =	sadd.s32 $0x8F2B, s0  }
0x35: {  	[sflag:s0] =	ssyncadd.remote.s32 $0x1  }
0x36: {  	_ =	sfence.sel $0xFFFF  }
0x37: {  	[dreg:$0x0] =	wrdreg $0xFFFFFFFF;
	(pc) =	sbr.abs _section_cstart, $3  }
0x38: {  	[dreg:$0x1] =	wrdreg $0xFFFFFFFF  }
0x39: {  	_ =	task.clear_ibuf [dreg:s7], $0x2FFFF;
	_ =	strace $0x9FFFFFFF  }
0x3a: {  	(tm) =	ssettm $0x7FFFFFFF  }
0x3b: {  	_ =	shalt  }
tec
execute0_lowered:
.L_overlay_start_1:
0x0: {  	(tag) =	ssettag $0x1  }
0x1: {  	s0 =	stileid.u32;
	s7 =	rddreg [dreg:$0x0]  }
0x2: {  	s1 =	srdreg.scid;
	s4 =	rddreg [dreg:$0x1]  }
0x3: {  	s30 =	simm.s32 $0x2;
	s10 =	simm.s32 $0x0;
	s14 =	simm.s32 $0x0  }
0x4: {  	s15 =	simm.s32 $0x0;
	s11 =	simm.s32 $0x0;
	s13 =	simm.s32 $0x0  }
0x5: {  	s2 =	sand.u32 $0x1, s1;
	s3 =	sshll.u32 s0, $0x7;
	s1 =	rddreg [dreg:$0x2]  }
0x6: {  	_ =	strace $0x80000047;
	s5 =	ssub.s32 $0xC300, s3;
	s6 =	ssub.s32 $0x2, s2  }
.Ltmp0:
0x7: {  	s5 =	sshrl.u32 s5, $0xB;
	s8 =	sshrl.u32 s6, $0x1;
	(pc) =	sbr.rel .LBB1_1-.Ltmp0, $4  }
0x8: {  	s4 =	sadd.s32 $0x2C00, s4;
	s9 =	sadd.s32 $0x1, s5;
	s6 =	ssub.s32 s6, s8  }
0x9: {  	s31 =	sshll.u32 s2, $0x4;
	s5 =	simm.s32 $0x1;
	s6 =	smul.u32 s9, s6  }
0xa: {  	s12 =	smov.u32 s3;
	s7 =	sadd.s32 s7, s31;
	[sflag:s5] =	ssyncpa.u1 $0x0  }
0xb: {  	s9 =	simm.s32 $0x0;
	[sflag:s30] =	ssyncpa.u1 $0x0;
	s8 =	sadd.s32 $0x1, s6  }
.LBB1_4:
0xc: {  	s21 =	simm.s32 $0x0  }
.LBB1_8:
0xd: {  	_ =	sdelay $0x3  }
0xe: {  	v6 =	vld [tilespmem:s18+$0xFFFFFFC0];
	[tilespmem:v0+s20+$0x30 ss:$0x1] =	vst.idx.msk @p0 $0xffff, v2  }
0xf: {  	v58 =	vld [tilespmem:s18+$0xFFFFFFD0];
	[tilespmem:v0+s20+$0x40 ss:$0x1] =	vst.idx.msk @p0 $0xffff, v3;
	s21 =	sadd.s32 @p0 $0x80, s21  }
0x10: {  	v59 =	vld [tilespmem:s18+$0xFFFFFFE0];
	[tilespmem:v0+s20+$0x50 ss:$0x1] =	vst.idx.msk @p0 $0xffff, v5;
	s19 =	smov.u32 @p0 s21  }
0x11: {  	v60 =	vld [tilespmem:s18+$0xFFFFFFF0];
	[tilespmem:v0+s20+$0x60 ss:$0x1] =	vst.idx.msk @p0 $0xffff, v4;
	s19 =	sand.u32 $0x3F80, s19  }
0x12: {  	v61 =	vld [tilespmem:s18+$0x0];
	[tilespmem:v0+s19+$0x70 ss:$0x1] =	vst.idx.msk $0xffff, v1  }
0x13: {  	v62 =	vld [tilespmem:s18+$0x10];
	[tilespmem:v0+s19+$0x0 ss:$0x1] =	vst.idx.msk $0xffff, v6  }
0x14: {  	v63 =	vld [tilespmem:s18+$0x20];
	[tilespmem:v0+s19+$0x10 ss:$0x1] =	vst.idx.msk $0xffff, v58  }
0x15: {  	[tilespmem:v0+s19+$0x20 ss:$0x1] =	vst.idx.msk $0xffff, v59  }
0x16: {  	[tilespmem:v0+s19+$0x30 ss:$0x1] =	vst.idx.msk $0xffff, v60  }
0x17: {  	[tilespmem:v0+s19+$0x40 ss:$0x1] =	vst.idx.msk $0xffff, v61  }
0x18: {  	[tilespmem:v0+s19+$0x50 ss:$0x1] =	vst.idx.msk $0xffff, v62  }
0x19: {  	[tilespmem:v0+s19+$0x60 ss:$0x1] =	vst.idx.msk $0xffff, v63  }
.LBB1_9:
0x1a: {  	s18 =	sand.u32 $0x1FFFFFF, s11  }
0x1b: {  	s19 =	smulhi.u32 $0x14F8B59, s18;
	_ =	sdelay $0x1  }
0x1c: {  	s19 =	sshrl.u32 s19, $0x8  }
0x1d: {  	s19 =	smul.u32 $0xC350, s19  }
0x1e: {  	s15 =	smul.u32 $0xC3500, s15  }
0x1f: {  	s18 =	ssub.s32 s18, s19  }
0x20: {  	s15 =	sadd.s32 s4, s15;
	s18 =	sshll.u32 s18, $0x4  }
0x21: {  	s15 =	sadd.s32 s18, s15  }
0x22: {  	[hbm4b:s15+s9] =	stream.linear.scatter [tilespmem:s17], [sflag:$0x2], s16, $0x38;
	[tilespmem:$0x10000] =	vst v63  }
.LBB1_10:
0x23: {  	p0 =	slt.u32 s13, $0x2  }
0x24: {  	p1 =	sgt.s32 @!p0 s14, $0xC2D0  }
0x25: {  	s15 =	smov.u32 s14;
	s16 =	sshra.s32 @!p0 s14, $0x1F;
	p1 =	por !p1, p0  }
0x26: {  	s14 =	sand.u32 @!p0 s16, s14;
	s15 =	simm.s32 @p1 $0xC2D0  }
0x27: {  	s14 =	ssub.s32 @!p0 s15, s14  }
0x28: {  	s14 =	sadd.s32 @!p0 $0xFFFF3D30, s14  }
0x29: {  	s15 =	sshll.u32 @!p0 s14, $0x7  }
0x2a: {  	p1 =	sgt.s32 @!p0 s14, $0x7F;
	s14 =	ssub.s32 @!p0 $0x4000, s15  }
0x2b: {  	s16 =	sadd.s32 $0x800, s12;
	p1 =	por !p1, p0;
	s14 =	sand.u32 @!p0 $0x3FFFFF80, s14  }
0x2c: {  	s14 =	simm.s32 @!p1 $0x0;
	p1 =	sgt.s32 s16, $0xC34F  }
0x2d: {  	s16 =	smov.u32 @p1 s3;
	p1 =	sne.s32 s13, s8  }
.Ltmp1:
0x2e: {  	_ = 	snop;
	(pc) =	sbr.rel @!p1 .LBB1_11-.Ltmp1, $4  }
0x2f: {  	s10 =	sadd.s32 $0x4000, s10;
	s15 =	simm.s32 @!p0 $0x2  }
0x30: {  	_ =	swait.ge @!p0 [sflag:s15], s14;
	s17 =	ssub.s32 @!p0 $0x0, s14;
	s14 =	smov.u32 s11  }
0x31: {  	s13 =	sadd.s32 $0x1, s13;
	s11 =	smov.u32 s12;
	[sflag:s15] =	ssyncset.done @!p0 $0x0  }
0x32: {  	s12 =	smov.u32 s16;
	[sflag:s15] =	ssyncadd.s32 @!p0 s17;
	s15 =	smov.u32 s2  }
.LBB1_1:
0x33: {  	p0 =	sge.u32 s13, s6  }
0x34: {  	p1 =	sgt.s32 @!p0 s12, $0xC2D0  }
0x35: {  	s16 =	smov.u32 s12;
	s17 =	sshra.s32 @!p0 s12, $0x1F;
	p1 =	por !p1, p0  }
0x36: {  	s17 =	sand.u32 @!p0 s17, s12;
	s16 =	simm.s32 @p1 $0xC2D0  }
0x37: {  	s16 =	ssub.s32 @!p0 s16, s17  }
0x38: {  	s31 =	sadd.s32 $0xFFFFFFFF, s13;
	s18 =	sxor.u32 @!p0 $0xFFFFFFFF, s13;
	s16 =	sadd.s32 @!p0 $0xFFFF3D30, s16  }
0x39: {  	s19 =	simm.s32 @!p0 $0x80;
	s20 =	simm.s32 @!p0 $0x100;
	s17 =	sshll.u32 @!p0 s16, $0x7  }
0x3a: {  	p1 =	sgt.s32 @!p0 s16, $0x7F;
	s16 =	ssub.s32 @!p0 $0x4000, s17;
	s17 =	sshll.u32 @!p0 s18, $0xE  }
0x3b: {  	p1 =	por !p1, p0;
	s18 =	sshll.u32 @!p0 s12, $0x5;
	s16 =	sand.u32 @!p0 $0x3FFFFF80, s16  }
0x3c: {  	s17 =	sand.u32 @!p0 $0x4000, s17;
	s18 =	sadd.s32 @!p0 s18, s7;
	s16 =	simm.s32 @!p1 $0x0  }
0x3d: {  	[tilespmem:s17], [sflag:$0x1] =	stream.strided.gather @!p0 [hbm4b:s18+s19], s16, s20, s19, $0x38;
	[tilespmem:$0x10000] =	vst v63  }
0x3e: {  	p0 =	sge.u32 s31, s6  }
.Ltmp2:
0x3f: {  	_ = 	snop;
	(pc) =	sbr.rel @p0 .LBB1_10-.Ltmp2, $1  }
0x40: {  	_ =	sdelay $0x3  }
0x41: {  	p0 =	sgt.s32 s11, $0xC2D0;
	s16 =	smov.u32 s11;
	s17 =	sshra.s32 s11, $0x1F  }
0x42: {  	s16 =	simm.s32 @!p0 $0xC2D0;
	s17 =	sand.u32 s17, s11  }
0x43: {  	s16 =	ssub.s32 s16, s17  }
0x44: {  	s16 =	sadd.s32 $0xFFFF3D30, s16  }
0x45: {  	s30 =	sshll.u32 s16, $0x7  }
0x46: {  	s17 =	ssub.s32 $0x4000, s30  }
0x47: {  	p0 =	sgt.s32 s16, $0x7F;
	s16 =	sand.u32 $0x3FFFFF80, s17;
	s17 =	sadd.s32 $0x80, s11  }
0x48: {  	s16 =	simm.s32 @p0 $0x0;
	p0 =	slt.s32 s17, $0xC350  }
0x49: {  	s17 =	simm.s32 @!p0 $0xC350  }
0x4a: {  	s20 =	ssub.s32 s17, s11  }
0x4b: {  	p0 =	slt.s32 s20, $0x1  }
.Ltmp3:
0x4c: {  	_ = 	snop;
	(pc) =	sbr.rel @p0 .LBB1_9-.Ltmp3, $4  }
0x4d: {  	_ = 	snop  }
0x4e: {  	s19 =	sshll.u32 s13, $0xE;
	_ =	swait.ge [sflag:s5], s16  }
0x4f: {  	s31 =	sand.u32 $0x4000, s19;
	s18 =	ssub.s32 $0x0, s16;
	[sflag:s5] =	ssyncset.done $0x0  }
0x50: {  	s17 =	sor.u32 $0x8000, s31;
	[sflag:s5] =	ssyncadd.s32 s18  }
0x51: {  	p1 =	sne.s32 s20, $0x1  }
.Ltmp4:
0x52: {  	v0 =	vmov s17;
	(pc) =	sbr.rel @!p1 .LBB1_4-.Ltmp4, $4  }
0x53: {  	_ = 	snop  }
0x54: {  	s18 =	sand.u32 $0x4000, s10  }
0x55: {  	s18 =	sor.u32 $0x40, s18  }
0x56: {  	s19 =	simm.s32 $0x0;
	s21 =	sadd.s32 $0xFFFFFFFF, s20;
	p0 =	por $0x0, $0x0;
	v1 =	vld [tilespmem:s18+$0x30]  }
0x57: {  	v4 =	vld [tilespmem:s18+$0xFFFFFFC0]  }
0x58: {  	v6 =	vld [tilespmem:s18+$0xFFFFFFD0]  }
0x59: {  	v7 =	vld [tilespmem:s18+$0xFFFFFFE0];
	p1 =	sne.s32 s21, $0x1  }
.Ltmp5:
0x5a: {  	v2 =	vld [tilespmem:s18+$0xFFFFFFF0];
	s20 =	sand.u32 $0x3F80, s19;
	(pc) =	sbr.rel @!p1 .LBB1_6-.Ltmp5, $4  }
0x5b: {  	v3 =	vld [tilespmem:s18+$0x0];
	[tilespmem:v0+s20+$0x70 ss:$0x1] =	vst.idx.msk $0xffff, v1  }
0x5c: {  	v5 =	vld [tilespmem:s18+$0x10];
	[tilespmem:v0+s20+$0x0 ss:$0x1] =	vst.idx.msk $0xffff, v4  }
0x5d: {  	v4 =	vld [tilespmem:s18+$0x20];
	[tilespmem:v0+s20+$0x10 ss:$0x1] =	vst.idx.msk $0xffff, v6;
	s18 =	sadd.s32 $0x80, s18  }
0x5e: {  	s22 =	sadd.s32 $0xFFFFFFFF, s21;
	p0 =	por $0x1, $0x1;
	s21 =	simm.s32 $0x0;
	[tilespmem:v0+s20+$0x20 ss:$0x1] =	vst.idx.msk $0xffff, v7;
	v1 =	vld [tilespmem:s18+$0x30]  }
.LBB1_7:
0x5f: {  	p1 =	sne.s32 s22, $0x1;
	v6 =	vld [tilespmem:s18+$0xFFFFFFC0];
	[tilespmem:v0+s20+$0x30 ss:$0x1] =	vst.idx.msk $0xffff, v2  }
0x60: {  	v7 =	vld [tilespmem:s18+$0xFFFFFFD0];
	[tilespmem:v0+s20+$0x40 ss:$0x1] =	vst.idx.msk $0xffff, v3  }
0x61: {  	s21 =	sadd.s32 $0x80, s21;
	v8 =	vld [tilespmem:s18+$0xFFFFFFE0];
	[tilespmem:v0+s20+$0x50 ss:$0x1] =	vst.idx.msk $0xffff, v5  }
.Ltmp6:
0x62: {  	v2 =	vld [tilespmem:s18+$0xFFFFFFF0];
	[tilespmem:v0+s20+$0x60 ss:$0x1] =	vst.idx.msk $0xffff, v4;
	s20 =	sand.u32 $0x3F80, s21;
	(pc) =	sbr.rel @p1 .LBB1_7-.Ltmp6, $4  }
0x63: {  	v3 =	vld [tilespmem:s18+$0x0];
	[tilespmem:v0+s20+$0x70 ss:$0x1] =	vst.idx.msk $0xffff, v1  }
0x64: {  	[tilespmem:v0+s20+$0x0 ss:$0x1] =	vst.idx.msk $0xffff, v6;
	v5 =	vld [tilespmem:s18+$0x10]  }
0x65: {  	[tilespmem:v0+s20+$0x10 ss:$0x1] =	vst.idx.msk $0xffff, v7;
	v4 =	vld [tilespmem:s18+$0x20];
	s18 =	sadd.s32 $0x80, s18  }
0x66: {  	s22 =	sadd.s32 $0xFFFFFFFF, s22;
	v1 =	vld [tilespmem:s18+$0x30];
	[tilespmem:v0+s20+$0x20 ss:$0x1] =	vst.idx.msk $0xffff, v8  }
.Ltmp7:
0x67: {  	_ = 	snop;
	(pc) =	sbr.rel .LBB1_8-.Ltmp7, $1  }
0x68: {  	_ =	sdelay $0x3  }
.LBB1_6:
.Ltmp8:
0x69: {  	(pc) =	sbr.rel .LBB1_8-.Ltmp8, $2  }
0x6a: {  	_ =	sdelay $0x2  }
0x6b: {  	s21 =	simm.s32 $0x0  }
.LBB1_11:
0x6c: {  	_ =	sfence.sel $0x180000  }
0x6d: {  	s2 =	simm.s32 $0x1;
	[bflag:$0x0] =	sbarrier.arrive $0xFFFF  }
0x6e: {  	s31 =	simm.s32 $0x2;
	[sflag:s2] =	ssyncpa.u1 $0x1  }
0x6f: {  	[sflag:s31] =	ssyncpa.u1 $0x1  }
0x70: {  	p0 =	sne.s32 s0, $0x0;
	_ =	strace $0x90000047  }
0x71: {  	s0 =	sadd.s32 @!p0 $0x100000, s1;
	[bflag:$0x2] =	sbarrier.arrive $0xFFFF  }
0x72: {  	[sflag:s0] =	ssyncadd.tile.s32 @!p0 $0x1;
	_ =	shalt  }
.Lfunc_end1:
_tile_overlayer_lowered:
.L_overlay_start_2:
0x73: {  	(tag) =	ssettag $0x2  }
0x74: {  	s0 =	rddreg [dreg:$0x0];
	s2 =	stileid.u32  }
0x75: {  	s1 =	rddreg [dreg:$0x1];
	p0 =	sne.s32 s2, $0x0  }
0x76: {  	s3 =	rddreg [dreg:$0x2];
	[bflag:$0x3] =	sbarrier.arrive $0xFFFF;
	s2 =	simm.s32 @!p0 $0x1C01  }
0x77: {  	[timem:s3], [sflag:s2] =	dma.local @!p0 [hbm:s0], s1  }
0x78: {  	s0 =	simm.s32 @!p0 $0x1  }
0x79: {  	_ =	swait.ge @!p0 [sflag:s0], s1  }
0x7a: {  	s1 =	ssub.s32 @!p0 $0x0, s1;
	[sflag:s0] =	ssyncset.done @!p0 $0x0  }
0x7b: {  	[sflag:s0] =	ssyncadd.s32 @!p0 s1  }
0x7c: {  	[bflag:$0x3] =	sbarrier.arrive $0xFFFF  }
0x7d: {  	_ =	shalt  }

</sc_bundles>
